<compile_context>
chip_gen: v7x
topology: tpu7x:2x2x1
jax: 0.10.2.dev20260603
libtpu: 0.0.44.dev20260713+nightly
codegen_flags: <defaults>
</compile_context>

<pallas_src>
import os

os.environ["AXON_LIBTPU_OVERRIDES"] = ""

import jax
import jax.numpy as jnp
from jax import lax
from jax.experimental import pallas as pl
from jax.experimental.pallas import tpu as pltpu
from jax.experimental.pallas import tpu_sc as plsc

N = 10000
D = 128
H = 4
F = 32
HF = H * F

NW = 32
C = 32
NCH = 324
EPW = C * NCH
E_PAD = NW * EPW
N_ACC = 10112
RPT = N_ACC // 16
N_DEN = 1280
DPT = N_DEN // 16


def _prologue(x_ref, w_ref, al_ref, ar_ref, feat_ref, el_ref, er_ref, gm_ref):
    f = jnp.dot(x_ref[...], w_ref[...], preferred_element_type=jnp.float32)
    feat_ref[...] = f
    el_b = jnp.dot(f, al_ref[...], preferred_element_type=jnp.float32)
    er_b = jnp.dot(f, ar_ref[...], preferred_element_type=jnp.float32)
    el_ref[...] = el_b
    er_ref[...] = er_b

    @pl.when(pl.program_id(0) == 0)
    def _():
        gm_ref[...] = jnp.full((1, H), -1e30, jnp.float32)

    gm_ref[...] = jnp.maximum(gm_ref[...], jnp.max(el_b, axis=0, keepdims=True))


def _sc_body(feat_h, attr_h, gm_h, src_h, dst_h, z_h, part, pden,
             acc, accd, g_v, sidx, didx, didx2, rows, msg, den,
             wbuf, asrc, adst, sem):
    c = lax.axis_index("c")
    s = lax.axis_index("s")
    wid = c * 16 + s

    pltpu.sync_copy(z_h.at[pl.ds(s * RPT, RPT)], acc.at[pl.ds(s * RPT, RPT)])
    pltpu.sync_copy(z_h.at[pl.ds(s * DPT, DPT)], accd.at[pl.ds(s * DPT, DPT)])
    pltpu.sync_copy(gm_h, g_v)

    zero16 = jnp.zeros((16,), jnp.float32)

    @pl.loop(0, C)
    def _z(j):
        for i in range(8):
            msg[j, pl.ds(i * 16, 16)] = zero16
            den[j, pl.ds(i * 16, 16)] = zero16

    plsc.subcore_barrier()

    iota16 = lax.iota(jnp.int32, 16)
    gh = [g_v[pl.ds(h * 16, 16)] for h in range(H)]
    base = wid * EPW

    @pl.loop(0, NCH)
    def _chunk(g):
        off = base + g * C
        pltpu.sync_copy(src_h.at[pl.ds(off, C)], sidx)
        pltpu.sync_copy(dst_h.at[pl.ds(off, C)], didx)
        pltpu.async_copy(feat_h.at[sidx], rows, sem).wait()
        pltpu.async_copy(attr_h.at[sidx], asrc, sem).wait()
        pltpu.async_copy(attr_h.at[didx], adst, sem).wait()

        @pl.loop(0, C)
        def _zd(j):
            den[j, pl.ds(0, 16)] = zero16
            den[j, pl.ds(16, 16)] = zero16

        for k in range(C // 16):
            s16 = sidx[pl.ds(k * 16, 16)]
            d16 = didx[pl.ds(k * 16, 16)]
            didx2[pl.ds(k * 16, 16)] = d16 >> 3
            dcol = (d16 & 7) * 4
            for h in range(H):
                elh = plsc.load_gather(
                    asrc, [k * 16 + iota16, jnp.full((16,), h, jnp.int32)])
                erh = plsc.load_gather(
                    adst, [k * 16 + iota16, jnp.full((16,), H + h, jnp.int32)])
                sm = elh + erh
                e = jnp.maximum(sm, 0.2 * sm)
                tm = gh[h] + erh
                mt = jnp.maximum(tm, 0.2 * tm)
                w = jnp.exp(e - mt)
                plsc.store_scatter(
                    wbuf, [k * 16 + iota16, jnp.full((16,), h, jnp.int32)], w)
                plsc.store_scatter(den, [k * 16 + iota16, dcol + h], w)

        @pl.loop(0, C)
        def _row(j):
            j16 = jnp.full((16,), 0, jnp.int32) + j
            wvs = [plsc.load_gather(wbuf, [j16, jnp.full((16,), h, jnp.int32)])
                   for h in range(H)]
            for i in range(8):
                r = rows[j, pl.ds(i * 16, 16)]
                msg[j, pl.ds(i * 16, 16)] = r * wvs[i // 2]

        pltpu.sync_copy(msg, acc.at[didx], add=True)
        pltpu.sync_copy(den, accd.at[didx2], add=True)

    plsc.subcore_barrier()
    pltpu.sync_copy(acc.at[pl.ds(s * RPT, RPT)],
                    part.at[pl.ds(c * N_ACC + s * RPT, RPT)])
    pltpu.sync_copy(accd.at[pl.ds(s * DPT, DPT)],
                    pden.at[pl.ds(c * N_DEN + s * DPT, DPT)])


def _epilogue(p_ref, d_ref, s_ref, b_ref, o_ref):
    p = p_ref[...]
    num = p[0] + p[1]
    recip = 1.0 / jnp.maximum(d_ref[...], 1e-9)
    dexp = jnp.dot(recip, s_ref[...], preferred_element_type=jnp.float32)
    o_ref[...] = num * dexp + b_ref[...]


def kernel(x, edge_index, W, attn_l, attn_r, bias):
    n = N
    i32 = jnp.int32
    loop = jnp.arange(n, dtype=i32)
    npad = E_PAD - (edge_index.shape[1] + n)
    src = jnp.concatenate(
        [edge_index[0].astype(i32), loop, jnp.zeros((npad,), i32)])
    dst = jnp.concatenate(
        [edge_index[1].astype(i32), loop, jnp.full((npad,), n, i32)])

    mask = (jnp.arange(HF)[:, None] // F == jnp.arange(H)[None, :])
    A_l = attn_l.reshape(HF, 1) * mask.astype(jnp.float32)
    A_r = attn_r.reshape(HF, 1) * mask.astype(jnp.float32)
    S = mask.astype(jnp.float32).T

    BN = 1000
    feat, el, er, gmax = pl.pallas_call(
        _prologue,
        grid=(n // BN,),
        in_specs=[
            pl.BlockSpec((BN, D), lambda i: (i, 0)),
            pl.BlockSpec((D, HF), lambda i: (0, 0)),
            pl.BlockSpec((HF, H), lambda i: (0, 0)),
            pl.BlockSpec((HF, H), lambda i: (0, 0)),
        ],
        out_specs=[
            pl.BlockSpec((BN, HF), lambda i: (i, 0)),
            pl.BlockSpec((BN, H), lambda i: (i, 0)),
            pl.BlockSpec((BN, H), lambda i: (i, 0)),
            pl.BlockSpec((1, H), lambda i: (0, 0)),
        ],
        out_shape=[
            jax.ShapeDtypeStruct((n, HF), jnp.float32),
            jax.ShapeDtypeStruct((n, H), jnp.float32),
            jax.ShapeDtypeStruct((n, H), jnp.float32),
            jax.ShapeDtypeStruct((1, H), jnp.float32),
        ],
    )(x, W, A_l, A_r)

    attr = jnp.pad(jnp.concatenate([el, er], axis=1), ((0, 16), (0, HF - 2 * H)))
    gmax64 = jnp.repeat(gmax.reshape(-1), 16)
    zrows = jnp.zeros((N_ACC, HF), jnp.float32)

    mesh = plsc.VectorSubcoreMesh(core_axis_name="c", subcore_axis_name="s")
    part, pden = pl.kernel(
        _sc_body,
        out_type=[
            jax.ShapeDtypeStruct((2 * N_ACC, HF), jnp.float32),
            jax.ShapeDtypeStruct((2 * N_DEN, HF), jnp.float32),
        ],
        mesh=mesh,
        compiler_params=pltpu.CompilerParams(needs_layout_passes=False),
        scratch_types=[
            pltpu.VMEM_SHARED((N_ACC, HF), jnp.float32),
            pltpu.VMEM_SHARED((N_DEN, HF), jnp.float32),
            pltpu.VMEM((64,), jnp.float32),
            pltpu.VMEM((C,), i32),
            pltpu.VMEM((C,), i32),
            pltpu.VMEM((C,), i32),
            pltpu.VMEM((C, D), jnp.float32),
            pltpu.VMEM((C, HF), jnp.float32),
            pltpu.VMEM((C, HF), jnp.float32),
            pltpu.VMEM((C, 8), jnp.float32),
            pltpu.VMEM((C, HF), jnp.float32),
            pltpu.VMEM((C, HF), jnp.float32),
            pltpu.SemaphoreType.DMA,
        ],
    )(feat, attr, gmax64, src, dst, zrows)

    den_nodes = (pden[:N_DEN] + pden[N_DEN:])[:1250, :32].reshape(n, H)
    part3 = part.reshape(2, N_ACC, HF)
    out = pl.pallas_call(
        _epilogue,
        grid=(n // BN,),
        in_specs=[
            pl.BlockSpec((2, BN, HF), lambda i: (0, i, 0)),
            pl.BlockSpec((BN, H), lambda i: (i, 0)),
            pl.BlockSpec((H, HF), lambda i: (0, 0)),
            pl.BlockSpec((1, HF), lambda i: (0, 0)),
        ],
        out_specs=pl.BlockSpec((BN, HF), lambda i: (i, 0)),
        out_shape=jax.ShapeDtypeStruct((n, HF), jnp.float32),
    )(part3, den_nodes, S, bias.reshape(1, HF))
    return out.reshape(n, H, F)

# --- scband reference (transcript-rebuilt; emitter-appended) ---
"""Pipeline reference for scband-gatconv-38405597561036 (READ-ONLY COPY).

The authoritative reference and input builder live on the scoring server;
editing this copy changes nothing except your own understanding.
"""

import jax, jax.numpy as jnp
import numpy as np

N = 10000
E = 320000
D = 128
H = 4
F = 32


def setup_inputs(seed: int = 0) -> dict:
    key = jax.random.key(seed)
    k1, k2, k3, k4, k5, k6 = jax.random.split(key, 6)
    x = jax.random.normal(k1, (N, D), dtype=jnp.float32)
    edge_index = jax.random.randint(k2, (2, E), 0, N, dtype=jnp.int32)
    # learned parameters of dgl.nn.GATConv(in_feats=128, out_feats=32, num_heads=4)
    W = jax.random.normal(k3, (D, H * F), dtype=jnp.float32) * 0.1
    attn_l = jax.random.normal(k4, (H, F), dtype=jnp.float32) * 0.1
    attn_r = jax.random.normal(k5, (H, F), dtype=jnp.float32) * 0.1
    bias = jax.random.normal(k6, (H * F,), dtype=jnp.float32) * 0.01
    return {"x": x, "edge_index": edge_index, "W": W, "attn_l": attn_l, "attn_r": attn_r, "bias": bias}


def reference(x, edge_index, W, attn_l, attn_r, bias):
    n = x.shape[0]
    # dgl.add_self_loop(g)
    loop = jnp.arange(n, dtype=edge_index.dtype)
    src = jnp.concatenate([edge_index[0], loop])
    dst = jnp.concatenate([edge_index[1], loop])
    # linear projection, reshape to heads
    feat = (x @ W).reshape(n, H, F)
    # per-node attention logits
    el = jnp.sum(feat * attn_l[None, :, :], axis=-1)  # [N, H]
    er = jnp.sum(feat * attn_r[None, :, :], axis=-1)  # [N, H]
    # per-edge logits (gather) + LeakyReLU(0.2)
    e = jax.nn.leaky_relu(el[src] + er[dst], negative_slope=0.2)  # [E', H]
    # edge softmax over incoming edges of each dst node
    m = jax.ops.segment_max(e, dst, num_segments=n)
    m = jnp.where(jnp.isfinite(m), m, 0.0)
    e_exp = jnp.exp(e - m[dst])
    denom = jax.ops.segment_sum(e_exp, dst, num_segments=n)
    alpha = e_exp / jnp.maximum(denom[dst], 1e-9)  # [E', H]
    # weighted message aggregation (gather src feats, scatter-add to dst)
    msg = feat[src] * alpha[:, :, None]  # [E', H, F]
    out = jax.ops.segment_sum(msg, dst, num_segments=n)  # [N, H, F]
    out = out + bias.reshape(1, H, F)
    return out

if __name__ == "__main__":
    import jax
    _d = setup_inputs()
    print(jax.jit(kernel)(*tuple(_d.values())))

</pallas_src>

<mosaic_0001>
#map = affine_map<(d0, d1) -> (0, 0)>
#map1 = affine_map<(d0, d1) -> (0)>
module attributes {stable_mosaic.version = 14 : i64} {
  func.func @_sc_body(%arg0: i32, %arg1: i32, %arg2: memref<10000x128xf32, #tpu.memory_space<hbm>>, %arg3: memref<10016x128xf32, #tpu.memory_space<hbm>>, %arg4: memref<64xf32, #tpu.memory_space<hbm>>, %arg5: memref<331776xi32, #tpu.memory_space<hbm>>, %arg6: memref<331776xi32, #tpu.memory_space<hbm>>, %arg7: memref<10112x128xf32, #tpu.memory_space<hbm>>, %arg8: memref<20224x128xf32, #tpu.memory_space<hbm>>, %arg9: memref<2560x128xf32, #tpu.memory_space<hbm>>, %arg10: memref<10112x128xf32, #tpu.memory_space<vmem_shared>>, %arg11: memref<1280x128xf32, #tpu.memory_space<vmem_shared>>, %arg12: memref<64xf32, #tpu.memory_space<vmem>>, %arg13: memref<32xi32, #tpu.memory_space<vmem>>, %arg14: memref<32xi32, #tpu.memory_space<vmem>>, %arg15: memref<32xi32, #tpu.memory_space<vmem>>, %arg16: memref<32x128xf32, #tpu.memory_space<vmem>>, %arg17: memref<32x128xf32, #tpu.memory_space<vmem>>, %arg18: memref<32x128xf32, #tpu.memory_space<vmem>>, %arg19: memref<32x8xf32, #tpu.memory_space<vmem>>, %arg20: memref<32x128xf32, #tpu.memory_space<vmem>>, %arg21: memref<32x128xf32, #tpu.memory_space<vmem>>, %arg22: memref<!tpu.dma_semaphore, #tpu.memory_space<semaphore_mem>>) attributes {dimension_semantics = [#tpu.dimension_semantics<core_parallel>, #tpu.dimension_semantics<subcore_parallel>], iteration_bounds = array<i64: 2, 16>, scalar_prefetch = 0 : i64, scratch_operands = 13 : i64, tpu.core_type = #tpu.core_type<sc_vector_subcore>, window_params = [{transform_indices = #map}, {transform_indices = #map}, {transform_indices = #map1}, {transform_indices = #map1}, {transform_indices = #map1}, {transform_indices = #map}, {transform_indices = #map}, {transform_indices = #map}]} {
    %mul3A = arith.constant 16 : i32
    %mul3A_0 = arith.muli %arg0, %mul3A : i32
    %add3A = arith.addi %mul3A_0, %arg1 : i32
    %mul3A_1 = arith.constant 632 : i32
    %mul3A_2 = arith.muli %arg1, %mul3A_1 : i32
    %mul3A_3 = arith.constant 632 : i32
    %mul3A_4 = arith.muli %arg1, %mul3A_3 : i32
    "tpu.region"() ({
      %run_scoped3A = tpu.sem_alloc : memref<!tpu.dma_semaphore, #tpu.memory_space<semaphore_mem>>
      %dma_start3A = arith.constant 0 : i32
      %dma_start3A_43 = tpu.memref_slice %arg10[%mul3A_4, %dma_start3A] : memref<10112x128xf32, #tpu.memory_space<vmem_shared>> -> memref<632x128xf32, #tpu.memory_space<vmem_shared>>
      %dma_start3A_44 = arith.constant 0 : i32
      %dma_start3A_45 = tpu.memref_slice %arg7[%mul3A_2, %dma_start3A_44] : memref<10112x128xf32, #tpu.memory_space<hbm>> -> memref<632x128xf32, #tpu.memory_space<hbm>>
      tpu.enqueue_dma source(%dma_start3A_45 : memref<632x128xf32, #tpu.memory_space<hbm>>) target(%dma_start3A_43 : memref<632x128xf32, #tpu.memory_space<vmem_shared>>) target_semaphore(%run_scoped3A : memref<!tpu.dma_semaphore, #tpu.memory_space<semaphore_mem>>)
      %dma_wait3A = arith.constant 0 : i32
      %dma_wait3A_46 = tpu.memref_slice %arg10[%mul3A_4, %dma_wait3A] : memref<10112x128xf32, #tpu.memory_space<vmem_shared>> -> memref<632x128xf32, #tpu.memory_space<vmem_shared>>
      %dma_wait3A_47 = arith.constant 0 : i32
      %dma_wait3A_48 = tpu.memref_slice %arg7[%mul3A_2, %dma_wait3A_47] : memref<10112x128xf32, #tpu.memory_space<hbm>> -> memref<632x128xf32, #tpu.memory_space<hbm>>
      tpu.wait_dma2 semaphore(%run_scoped3A : memref<!tpu.dma_semaphore, #tpu.memory_space<semaphore_mem>>) src(%dma_wait3A_48 : memref<632x128xf32, #tpu.memory_space<hbm>>) dst(%dma_wait3A_46 : memref<632x128xf32, #tpu.memory_space<vmem_shared>>)
      tpu.yield
    }) : () -> ()
    %mul3A_5 = arith.constant 80 : i32
    %mul3A_6 = arith.muli %arg1, %mul3A_5 : i32
    %mul3A_7 = arith.constant 80 : i32
    %mul3A_8 = arith.muli %arg1, %mul3A_7 : i32
    "tpu.region"() ({
      %run_scoped3A = tpu.sem_alloc : memref<!tpu.dma_semaphore, #tpu.memory_space<semaphore_mem>>
      %dma_start3A = arith.constant 0 : i32
      %dma_start3A_43 = tpu.memref_slice %arg11[%mul3A_8, %dma_start3A] : memref<1280x128xf32, #tpu.memory_space<vmem_shared>> -> memref<80x128xf32, #tpu.memory_space<vmem_shared>>
      %dma_start3A_44 = arith.constant 0 : i32
      %dma_start3A_45 = tpu.memref_slice %arg7[%mul3A_6, %dma_start3A_44] : memref<10112x128xf32, #tpu.memory_space<hbm>> -> memref<80x128xf32, #tpu.memory_space<hbm>>
      tpu.enqueue_dma source(%dma_start3A_45 : memref<80x128xf32, #tpu.memory_space<hbm>>) target(%dma_start3A_43 : memref<80x128xf32, #tpu.memory_space<vmem_shared>>) target_semaphore(%run_scoped3A : memref<!tpu.dma_semaphore, #tpu.memory_space<semaphore_mem>>)
      %dma_wait3A = arith.constant 0 : i32
      %dma_wait3A_46 = tpu.memref_slice %arg11[%mul3A_8, %dma_wait3A] : memref<1280x128xf32, #tpu.memory_space<vmem_shared>> -> memref<80x128xf32, #tpu.memory_space<vmem_shared>>
      %dma_wait3A_47 = arith.constant 0 : i32
      %dma_wait3A_48 = tpu.memref_slice %arg7[%mul3A_6, %dma_wait3A_47] : memref<10112x128xf32, #tpu.memory_space<hbm>> -> memref<80x128xf32, #tpu.memory_space<hbm>>
      tpu.wait_dma2 semaphore(%run_scoped3A : memref<!tpu.dma_semaphore, #tpu.memory_space<semaphore_mem>>) src(%dma_wait3A_48 : memref<80x128xf32, #tpu.memory_space<hbm>>) dst(%dma_wait3A_46 : memref<80x128xf32, #tpu.memory_space<vmem_shared>>)
      tpu.yield
    }) : () -> ()
    "tpu.region"() ({
      %run_scoped3A = tpu.sem_alloc : memref<!tpu.dma_semaphore, #tpu.memory_space<semaphore_mem>>
      tpu.enqueue_dma source(%arg4 : memref<64xf32, #tpu.memory_space<hbm>>) target(%arg12 : memref<64xf32, #tpu.memory_space<vmem>>) target_semaphore(%run_scoped3A : memref<!tpu.dma_semaphore, #tpu.memory_space<semaphore_mem>>)
      tpu.wait_dma2 semaphore(%run_scoped3A : memref<!tpu.dma_semaphore, #tpu.memory_space<semaphore_mem>>) src(%arg4 : memref<64xf32, #tpu.memory_space<hbm>>) dst(%arg12 : memref<64xf32, #tpu.memory_space<vmem>>)
      tpu.yield
    }) : () -> ()
    %broadcast_in_dim3A = arith.constant 0.000000e+00 : f32
    %broadcast_in_dim3A_9 = vector.broadcast %broadcast_in_dim3A : f32 to vector<16xf32>
    %scan3A = arith.constant 0 : i32
    %scan3A_10 = arith.constant 32 : i32
    %scan3A_11 = arith.addi %scan3A, %scan3A_10 : i32
    %scan3A_12 = arith.constant 1 : i32
    scf.for %scan3A_43 = %scan3A to %scan3A_11 step %scan3A_12  : i32 {
      %mul3A_44 = arith.constant 1 : i32
      %mul3A_45 = arith.muli %scan3A_43, %mul3A_44 : i32
      %add3A_46 = arith.constant 0 : i32
      %add3A_47 = arith.addi %add3A_46, %mul3A_45 : i32
      %swap3A = arith.index_cast %add3A_47 : i32 to index
      %swap3A_48 = arith.constant 0 : index
      %swap3A_49 = tpu.vector_load %arg17[%swap3A, %swap3A_48] {strides = array<i32>} : memref<32x128xf32, #tpu.memory_space<vmem>>, vector<16xf32>,
      tpu.vector_store %arg17[%swap3A, %swap3A_48], %broadcast_in_dim3A_9 {strides = array<i32>} : memref<32x128xf32, #tpu.memory_space<vmem>>, vector<16xf32>,
      %swap3A_50 = arith.index_cast %add3A_47 : i32 to index
      %swap3A_51 = arith.constant 0 : index
      %swap3A_52 = tpu.vector_load %arg18[%swap3A_50, %swap3A_51] {strides = array<i32>} : memref<32x128xf32, #tpu.memory_space<vmem>>, vector<16xf32>,
      tpu.vector_store %arg18[%swap3A_50, %swap3A_51], %broadcast_in_dim3A_9 {strides = array<i32>} : memref<32x128xf32, #tpu.memory_space<vmem>>, vector<16xf32>,
      %swap3A_53 = arith.index_cast %add3A_47 : i32 to index
      %swap3A_54 = arith.constant 16 : index
      %swap3A_55 = tpu.vector_load %arg17[%swap3A_53, %swap3A_54] {strides = array<i32>} : memref<32x128xf32, #tpu.memory_space<vmem>>, vector<16xf32>,
      tpu.vector_store %arg17[%swap3A_53, %swap3A_54], %broadcast_in_dim3A_9 {strides = array<i32>} : memref<32x128xf32, #tpu.memory_space<vmem>>, vector<16xf32>,
      %swap3A_56 = arith.index_cast %add3A_47 : i32 to index
      %swap3A_57 = arith.constant 16 : index
      %swap3A_58 = tpu.vector_load %arg18[%swap3A_56, %swap3A_57] {strides = array<i32>} : memref<32x128xf32, #tpu.memory_space<vmem>>, vector<16xf32>,
      tpu.vector_store %arg18[%swap3A_56, %swap3A_57], %broadcast_in_dim3A_9 {strides = array<i32>} : memref<32x128xf32, #tpu.memory_space<vmem>>, vector<16xf32>,
      %swap3A_59 = arith.index_cast %add3A_47 : i32 to index
      %swap3A_60 = arith.constant 32 : index
      %swap3A_61 = tpu.vector_load %arg17[%swap3A_59, %swap3A_60] {strides = array<i32>} : memref<32x128xf32, #tpu.memory_space<vmem>>, vector<16xf32>,
      tpu.vector_store %arg17[%swap3A_59, %swap3A_60], %broadcast_in_dim3A_9 {strides = array<i32>} : memref<32x128xf32, #tpu.memory_space<vmem>>, vector<16xf32>,
      %swap3A_62 = arith.index_cast %add3A_47 : i32 to index
      %swap3A_63 = arith.constant 32 : index
      %swap3A_64 = tpu.vector_load %arg18[%swap3A_62, %swap3A_63] {strides = array<i32>} : memref<32x128xf32, #tpu.memory_space<vmem>>, vector<16xf32>,
      tpu.vector_store %arg18[%swap3A_62, %swap3A_63], %broadcast_in_dim3A_9 {strides = array<i32>} : memref<32x128xf32, #tpu.memory_space<vmem>>, vector<16xf32>,
      %swap3A_65 = arith.index_cast %add3A_47 : i32 to index
      %swap3A_66 = arith.constant 48 : index
      %swap3A_67 = tpu.vector_load %arg17[%swap3A_65, %swap3A_66] {strides = array<i32>} : memref<32x128xf32, #tpu.memory_space<vmem>>, vector<16xf32>,
      tpu.vector_store %arg17[%swap3A_65, %swap3A_66], %broadcast_in_dim3A_9 {strides = array<i32>} : memref<32x128xf32, #tpu.memory_space<vmem>>, vector<16xf32>,
      %swap3A_68 = arith.index_cast %add3A_47 : i32 to index
      %swap3A_69 = arith.constant 48 : index
      %swap3A_70 = tpu.vector_load %arg18[%swap3A_68, %swap3A_69] {strides = array<i32>} : memref<32x128xf32, #tpu.memory_space<vmem>>, vector<16xf32>,
      tpu.vector_store %arg18[%swap3A_68, %swap3A_69], %broadcast_in_dim3A_9 {strides = array<i32>} : memref<32x128xf32, #tpu.memory_space<vmem>>, vector<16xf32>,
      %swap3A_71 = arith.index_cast %add3A_47 : i32 to index
      %swap3A_72 = arith.constant 64 : index
      %swap3A_73 = tpu.vector_load %arg17[%swap3A_71, %swap3A_72] {strides = array<i32>} : memref<32x128xf32, #tpu.memory_space<vmem>>, vector<16xf32>,
      tpu.vector_store %arg17[%swap3A_71, %swap3A_72], %broadcast_in_dim3A_9 {strides = array<i32>} : memref<32x128xf32, #tpu.memory_space<vmem>>, vector<16xf32>,
      %swap3A_74 = arith.index_cast %add3A_47 : i32 to index
      %swap3A_75 = arith.constant 64 : index
      %swap3A_76 = tpu.vector_load %arg18[%swap3A_74, %swap3A_75] {strides = array<i32>} : memref<32x128xf32, #tpu.memory_space<vmem>>, vector<16xf32>,
      tpu.vector_store %arg18[%swap3A_74, %swap3A_75], %broadcast_in_dim3A_9 {strides = array<i32>} : memref<32x128xf32, #tpu.memory_space<vmem>>, vector<16xf32>,
      %swap3A_77 = arith.index_cast %add3A_47 : i32 to index
      %swap3A_78 = arith.constant 80 : index
      %swap3A_79 = tpu.vector_load %arg17[%swap3A_77, %swap3A_78] {strides = array<i32>} : memref<32x128xf32, #tpu.memory_space<vmem>>, vector<16xf32>,
      tpu.vector_store %arg17[%swap3A_77, %swap3A_78], %broadcast_in_dim3A_9 {strides = array<i32>} : memref<32x128xf32, #tpu.memory_space<vmem>>, vector<16xf32>,
      %swap3A_80 = arith.index_cast %add3A_47 : i32 to index
      %swap3A_81 = arith.constant 80 : index
      %swap3A_82 = tpu.vector_load %arg18[%swap3A_80, %swap3A_81] {strides = array<i32>} : memref<32x128xf32, #tpu.memory_space<vmem>>, vector<16xf32>,
      tpu.vector_store %arg18[%swap3A_80, %swap3A_81], %broadcast_in_dim3A_9 {strides = array<i32>} : memref<32x128xf32, #tpu.memory_space<vmem>>, vector<16xf32>,
      %swap3A_83 = arith.index_cast %add3A_47 : i32 to index
      %swap3A_84 = arith.constant 96 : index
      %swap3A_85 = tpu.vector_load %arg17[%swap3A_83, %swap3A_84] {strides = array<i32>} : memref<32x128xf32, #tpu.memory_space<vmem>>, vector<16xf32>,
      tpu.vector_store %arg17[%swap3A_83, %swap3A_84], %broadcast_in_dim3A_9 {strides = array<i32>} : memref<32x128xf32, #tpu.memory_space<vmem>>, vector<16xf32>,
      %swap3A_86 = arith.index_cast %add3A_47 : i32 to index
      %swap3A_87 = arith.constant 96 : index
      %swap3A_88 = tpu.vector_load %arg18[%swap3A_86, %swap3A_87] {strides = array<i32>} : memref<32x128xf32, #tpu.memory_space<vmem>>, vector<16xf32>,
      tpu.vector_store %arg18[%swap3A_86, %swap3A_87], %broadcast_in_dim3A_9 {strides = array<i32>} : memref<32x128xf32, #tpu.memory_space<vmem>>, vector<16xf32>,
      %swap3A_89 = arith.index_cast %add3A_47 : i32 to index
      %swap3A_90 = arith.constant 112 : index
      %swap3A_91 = tpu.vector_load %arg17[%swap3A_89, %swap3A_90] {strides = array<i32>} : memref<32x128xf32, #tpu.memory_space<vmem>>, vector<16xf32>,
      tpu.vector_store %arg17[%swap3A_89, %swap3A_90], %broadcast_in_dim3A_9 {strides = array<i32>} : memref<32x128xf32, #tpu.memory_space<vmem>>, vector<16xf32>,
      %swap3A_92 = arith.index_cast %add3A_47 : i32 to index
      %swap3A_93 = arith.constant 112 : index
      %swap3A_94 = tpu.vector_load %arg18[%swap3A_92, %swap3A_93] {strides = array<i32>} : memref<32x128xf32, #tpu.memory_space<vmem>>, vector<16xf32>,
      tpu.vector_store %arg18[%swap3A_92, %swap3A_93], %broadcast_in_dim3A_9 {strides = array<i32>} : memref<32x128xf32, #tpu.memory_space<vmem>>, vector<16xf32>,
    }
    %scan3A_13 = arith.constant 32 : i32
    %barrier3A = arith.constant 0 : index
    tpu.barrier barrier_id(%barrier3A)
    %iota3A = tpu.iota {dimensions = array<i32: 0>} : vector<16xi32>
    %get3A = arith.constant 0 : index
    %get3A_14 = tpu.vector_load %arg12[%get3A] {strides = array<i32>} : memref<64xf32, #tpu.memory_space<vmem>>, vector<16xf32>,
    %get3A_15 = arith.constant 16 : index
    %get3A_16 = tpu.vector_load %arg12[%get3A_15] {strides = array<i32>} : memref<64xf32, #tpu.memory_space<vmem>>, vector<16xf32>,
    %get3A_17 = arith.constant 32 : index
    %get3A_18 = tpu.vector_load %arg12[%get3A_17] {strides = array<i32>} : memref<64xf32, #tpu.memory_space<vmem>>, vector<16xf32>,
    %get3A_19 = arith.constant 48 : index
    %get3A_20 = tpu.vector_load %arg12[%get3A_19] {strides = array<i32>} : memref<64xf32, #tpu.memory_space<vmem>>, vector<16xf32>,
    %mul3A_21 = arith.constant 10368 : i32
    %mul3A_22 = arith.muli %add3A, %mul3A_21 : i32
    %scan3A_23 = arith.constant 0 : i32
    %scan3A_24 = arith.constant 324 : i32
    %scan3A_25 = arith.addi %scan3A_23, %scan3A_24 : i32
    %scan3A_26 = arith.constant 1 : i32
    scf.for %scan3A_43 = %scan3A_23 to %scan3A_25 step %scan3A_26  : i32 {
      %mul3A_44 = arith.constant 1 : i32
      %mul3A_45 = arith.muli %scan3A_43, %mul3A_44 : i32
      %add3A_46 = arith.constant 0 : i32
      %add3A_47 = arith.addi %add3A_46, %mul3A_45 : i32
      %mul3A_48 = arith.constant 32 : i32
      %mul3A_49 = arith.muli %add3A_47, %mul3A_48 : i32
      %add3A_50 = arith.addi %mul3A_22, %mul3A_49 : i32
      "tpu.region"() ({
        %run_scoped3A = tpu.sem_alloc : memref<!tpu.dma_semaphore, #tpu.memory_space<semaphore_mem>>
        %dma_start3A_380 = tpu.memref_slice %arg5[%add3A_50] : memref<331776xi32, #tpu.memory_space<hbm>> -> memref<32xi32, #tpu.memory_space<hbm>>
        %dma_start3A_381 = tpu.memref_slice %arg5[%add3A_50] : memref<331776xi32, #tpu.memory_space<hbm>> -> memref<32xi32, #tpu.memory_space<hbm>>
        tpu.enqueue_dma source(%dma_start3A_381 : memref<32xi32, #tpu.memory_space<hbm>>) target(%arg13 : memref<32xi32, #tpu.memory_space<vmem>>) target_semaphore(%run_scoped3A : memref<!tpu.dma_semaphore, #tpu.memory_space<semaphore_mem>>)
        %dma_wait3A_382 = tpu.memref_slice %arg5[%add3A_50] : memref<331776xi32, #tpu.memory_space<hbm>> -> memref<32xi32, #tpu.memory_space<hbm>>
        %dma_wait3A_383 = tpu.memref_slice %arg5[%add3A_50] : memref<331776xi32, #tpu.memory_space<hbm>> -> memref<32xi32, #tpu.memory_space<hbm>>
        tpu.wait_dma2 semaphore(%run_scoped3A : memref<!tpu.dma_semaphore, #tpu.memory_space<semaphore_mem>>) src(%dma_wait3A_383 : memref<32xi32, #tpu.memory_space<hbm>>) dst(%arg13 : memref<32xi32, #tpu.memory_space<vmem>>)
        tpu.yield
      }) : () -> ()
      "tpu.region"() ({
        %run_scoped3A = tpu.sem_alloc : memref<!tpu.dma_semaphore, #tpu.memory_space<semaphore_mem>>
        %dma_start3A_380 = tpu.memref_slice %arg6[%add3A_50] : memref<331776xi32, #tpu.memory_space<hbm>> -> memref<32xi32, #tpu.memory_space<hbm>>
        %dma_start3A_381 = tpu.memref_slice %arg6[%add3A_50] : memref<331776xi32, #tpu.memory_space<hbm>> -> memref<32xi32, #tpu.memory_space<hbm>>
        tpu.enqueue_dma source(%dma_start3A_381 : memref<32xi32, #tpu.memory_space<hbm>>) target(%arg14 : memref<32xi32, #tpu.memory_space<vmem>>) target_semaphore(%run_scoped3A : memref<!tpu.dma_semaphore, #tpu.memory_space<semaphore_mem>>)
        %dma_wait3A_382 = tpu.memref_slice %arg6[%add3A_50] : memref<331776xi32, #tpu.memory_space<hbm>> -> memref<32xi32, #tpu.memory_space<hbm>>
        %dma_wait3A_383 = tpu.memref_slice %arg6[%add3A_50] : memref<331776xi32, #tpu.memory_space<hbm>> -> memref<32xi32, #tpu.memory_space<hbm>>
        tpu.wait_dma2 semaphore(%run_scoped3A : memref<!tpu.dma_semaphore, #tpu.memory_space<semaphore_mem>>) src(%dma_wait3A_383 : memref<32xi32, #tpu.memory_space<hbm>>) dst(%arg14 : memref<32xi32, #tpu.memory_space<vmem>>)
        tpu.yield
      }) : () -> ()
      %dma_start3A = arith.constant 0 : i32
      %dma_start3A_51 = arith.constant 0 : i32
      %dma_start3A_52 = tpu.memref_slice %arg2[%dma_start3A, %dma_start3A_51] : memref<10000x128xf32, #tpu.memory_space<hbm>> -> memref<10000x128xf32, #tpu.memory_space<hbm>>
      tpu.enqueue_indirect_dma source(%dma_start3A_52 : memref<10000x128xf32, #tpu.memory_space<hbm>>) target(%arg16 : memref<32x128xf32, #tpu.memory_space<vmem>>) offsets(%arg13 : memref<32xi32, #tpu.memory_space<vmem>>) semaphore(%arg22 : memref<!tpu.dma_semaphore, #tpu.memory_space<semaphore_mem>>)
      %dma_wait3A = arith.constant 0 : i32
      %dma_wait3A_53 = arith.constant 0 : i32
      %dma_wait3A_54 = tpu.memref_slice %arg2[%dma_wait3A, %dma_wait3A_53] : memref<10000x128xf32, #tpu.memory_space<hbm>> -> memref<10000x128xf32, #tpu.memory_space<hbm>>
      tpu.wait_indirect_dma semaphore(%arg22 : memref<!tpu.dma_semaphore, #tpu.memory_space<semaphore_mem>>) src(%dma_wait3A_54 : memref<10000x128xf32, #tpu.memory_space<hbm>>) dst(%arg16 : memref<32x128xf32, #tpu.memory_space<vmem>>)
      %dma_start3A_55 = arith.constant 0 : i32
      %dma_start3A_56 = arith.constant 0 : i32
      %dma_start3A_57 = tpu.memref_slice %arg3[%dma_start3A_55, %dma_start3A_56] : memref<10016x128xf32, #tpu.memory_space<hbm>> -> memref<10016x128xf32, #tpu.memory_space<hbm>>
      tpu.enqueue_indirect_dma source(%dma_start3A_57 : memref<10016x128xf32, #tpu.memory_space<hbm>>) target(%arg20 : memref<32x128xf32, #tpu.memory_space<vmem>>) offsets(%arg13 : memref<32xi32, #tpu.memory_space<vmem>>) semaphore(%arg22 : memref<!tpu.dma_semaphore, #tpu.memory_space<semaphore_mem>>)
      %dma_wait3A_58 = arith.constant 0 : i32
      %dma_wait3A_59 = arith.constant 0 : i32
      %dma_wait3A_60 = tpu.memref_slice %arg3[%dma_wait3A_58, %dma_wait3A_59] : memref<10016x128xf32, #tpu.memory_space<hbm>> -> memref<10016x128xf32, #tpu.memory_space<hbm>>
      tpu.wait_indirect_dma semaphore(%arg22 : memref<!tpu.dma_semaphore, #tpu.memory_space<semaphore_mem>>) src(%dma_wait3A_60 : memref<10016x128xf32, #tpu.memory_space<hbm>>) dst(%arg20 : memref<32x128xf32, #tpu.memory_space<vmem>>)
      %dma_start3A_61 = arith.constant 0 : i32
      %dma_start3A_62 = arith.constant 0 : i32
      %dma_start3A_63 = tpu.memref_slice %arg3[%dma_start3A_61, %dma_start3A_62] : memref<10016x128xf32, #tpu.memory_space<hbm>> -> memref<10016x128xf32, #tpu.memory_space<hbm>>
      tpu.enqueue_indirect_dma source(%dma_start3A_63 : memref<10016x128xf32, #tpu.memory_space<hbm>>) target(%arg21 : memref<32x128xf32, #tpu.memory_space<vmem>>) offsets(%arg14 : memref<32xi32, #tpu.memory_space<vmem>>) semaphore(%arg22 : memref<!tpu.dma_semaphore, #tpu.memory_space<semaphore_mem>>)
      %dma_wait3A_64 = arith.constant 0 : i32
      %dma_wait3A_65 = arith.constant 0 : i32
      %dma_wait3A_66 = tpu.memref_slice %arg3[%dma_wait3A_64, %dma_wait3A_65] : memref<10016x128xf32, #tpu.memory_space<hbm>> -> memref<10016x128xf32, #tpu.memory_space<hbm>>
      tpu.wait_indirect_dma semaphore(%arg22 : memref<!tpu.dma_semaphore, #tpu.memory_space<semaphore_mem>>) src(%dma_wait3A_66 : memref<10016x128xf32, #tpu.memory_space<hbm>>) dst(%arg21 : memref<32x128xf32, #tpu.memory_space<vmem>>)
      %scan3A_67 = arith.constant 0 : i32
      %scan3A_68 = arith.constant 32 : i32
      %scan3A_69 = arith.addi %scan3A_67, %scan3A_68 : i32
      %scan3A_70 = arith.constant 1 : i32
      scf.for %scan3A_380 = %scan3A_67 to %scan3A_69 step %scan3A_70  : i32 {
        %mul3A_381 = arith.constant 1 : i32
        %mul3A_382 = arith.muli %scan3A_380, %mul3A_381 : i32
        %add3A_383 = arith.constant 0 : i32
        %add3A_384 = arith.addi %add3A_383, %mul3A_382 : i32
        %swap3A_385 = arith.index_cast %add3A_384 : i32 to index
        %swap3A_386 = arith.constant 0 : index
        %swap3A_387 = tpu.vector_load %arg18[%swap3A_385, %swap3A_386] {strides = array<i32>} : memref<32x128xf32, #tpu.memory_space<vmem>>, vector<16xf32>,
        tpu.vector_store %arg18[%swap3A_385, %swap3A_386], %broadcast_in_dim3A_9 {strides = array<i32>} : memref<32x128xf32, #tpu.memory_space<vmem>>, vector<16xf32>,
        %swap3A_388 = arith.index_cast %add3A_384 : i32 to index
        %swap3A_389 = arith.constant 16 : index
        %swap3A_390 = tpu.vector_load %arg18[%swap3A_388, %swap3A_389] {strides = array<i32>} : memref<32x128xf32, #tpu.memory_space<vmem>>, vector<16xf32>,
        tpu.vector_store %arg18[%swap3A_388, %swap3A_389], %broadcast_in_dim3A_9 {strides = array<i32>} : memref<32x128xf32, #tpu.memory_space<vmem>>, vector<16xf32>,
      }
      %scan3A_71 = arith.constant 32 : i32
      %get3A_72 = arith.constant 0 : index
      %get3A_73 = tpu.vector_load %arg13[%get3A_72] {strides = array<i32>} : memref<32xi32, #tpu.memory_space<vmem>>, vector<16xi32>,
      %get3A_74 = arith.constant 0 : index
      %get3A_75 = tpu.vector_load %arg14[%get3A_74] {strides = array<i32>} : memref<32xi32, #tpu.memory_space<vmem>>, vector<16xi32>,
      %shift_right_arithmetic3A = arith.constant 3 : i32
      %shift_right_arithmetic3A_76 = vector.broadcast %shift_right_arithmetic3A : i32 to vector<16xi32>
      %shift_right_arithmetic3A_77 = arith.shrsi %get3A_75, %shift_right_arithmetic3A_76 : vector<16xi32>
      %swap3A = arith.constant 0 : index
      %swap3A_78 = tpu.vector_load %arg15[%swap3A] {strides = array<i32>} : memref<32xi32, #tpu.memory_space<vmem>>, vector<16xi32>,
      tpu.vector_store %arg15[%swap3A], %shift_right_arithmetic3A_77 {strides = array<i32>} : memref<32xi32, #tpu.memory_space<vmem>>, vector<16xi32>,
      %and3A = arith.constant 7 : i32
      %and3A_79 = vector.broadcast %and3A : i32 to vector<16xi32>
      %and3A_80 = arith.andi %get3A_75, %and3A_79 : vector<16xi32>
      %mul3A_81 = arith.constant 4 : i32
      %mul3A_82 = vector.broadcast %mul3A_81 : i32 to vector<16xi32>
      %mul3A_83 = arith.muli %and3A_80, %mul3A_82 : vector<16xi32>
      %add3A_84 = arith.constant 0 : i32
      %add3A_85 = vector.broadcast %add3A_84 : i32 to vector<16xi32>
      %add3A_86 = arith.addi %add3A_85, %iota3A : vector<16xi32>
      %broadcast_in_dim3A_87 = arith.constant 0 : i32
      %broadcast_in_dim3A_88 = vector.broadcast %broadcast_in_dim3A_87 : i32 to vector<16xi32>
      %gather3A = tpu.vector_load_idx %arg20[%add3A_86, %broadcast_in_dim3A_88] : memref<32x128xf32, #tpu.memory_space<vmem>>[vector<16xi32>, vector<16xi32>], vector<16xf32>,
      %add3A_89 = arith.constant 0 : i32
      %add3A_90 = vector.broadcast %add3A_89 : i32 to vector<16xi32>
      %add3A_91 = arith.addi %add3A_90, %iota3A : vector<16xi32>
      %broadcast_in_dim3A_92 = arith.constant 4 : i32
      %broadcast_in_dim3A_93 = vector.broadcast %broadcast_in_dim3A_92 : i32 to vector<16xi32>
      %gather3A_94 = tpu.vector_load_idx %arg21[%add3A_91, %broadcast_in_dim3A_93] : memref<32x128xf32, #tpu.memory_space<vmem>>[vector<16xi32>, vector<16xi32>], vector<16xf32>,
      %add3A_95 = arith.addf %gather3A, %gather3A_94 : vector<16xf32>
      %mul3A_96 = arith.constant 2.000000e-01 : f32
      %mul3A_97 = vector.broadcast %mul3A_96 : f32 to vector<16xf32>
      %mul3A_98 = arith.mulf %mul3A_97, %add3A_95 : vector<16xf32>
      %max3A = arith.maximumf %add3A_95, %mul3A_98 : vector<16xf32>
      %add3A_99 = arith.addf %get3A_14, %gather3A_94 : vector<16xf32>
      %mul3A_100 = arith.constant 2.000000e-01 : f32
      %mul3A_101 = vector.broadcast %mul3A_100 : f32 to vector<16xf32>
      %mul3A_102 = arith.mulf %mul3A_101, %add3A_99 : vector<16xf32>
      %max3A_103 = arith.maximumf %add3A_99, %mul3A_102 : vector<16xf32>
      %sub3A = arith.subf %max3A, %max3A_103 : vector<16xf32>
      %exp3A = math.exp %sub3A : vector<16xf32>
      %add3A_104 = arith.constant 0 : i32
      %add3A_105 = vector.broadcast %add3A_104 : i32 to vector<16xi32>
      %add3A_106 = arith.addi %add3A_105, %iota3A : vector<16xi32>
      %broadcast_in_dim3A_107 = arith.constant 0 : i32
      %broadcast_in_dim3A_108 = vector.broadcast %broadcast_in_dim3A_107 : i32 to vector<16xi32>
      tpu.vector_store_idx %arg19[%add3A_106, %broadcast_in_dim3A_108], %exp3A : memref<32x8xf32, #tpu.memory_space<vmem>>[vector<16xi32>, vector<16xi32>], vector<16xf32>,
      %add3A_109 = arith.constant 0 : i32
      %add3A_110 = vector.broadcast %add3A_109 : i32 to vector<16xi32>
      %add3A_111 = arith.addi %add3A_110, %iota3A : vector<16xi32>
      %add3A_112 = arith.constant 0 : i32
      %add3A_113 = vector.broadcast %add3A_112 : i32 to vector<16xi32>
      %add3A_114 = arith.addi %mul3A_83, %add3A_113 : vector<16xi32>
      tpu.vector_store_idx %arg18[%add3A_111, %add3A_114], %exp3A : memref<32x128xf32, #tpu.memory_space<vmem>>[vector<16xi32>, vector<16xi32>], vector<16xf32>,
      %add3A_115 = arith.constant 0 : i32
      %add3A_116 = vector.broadcast %add3A_115 : i32 to vector<16xi32>
      %add3A_117 = arith.addi %add3A_116, %iota3A : vector<16xi32>
      %broadcast_in_dim3A_118 = arith.constant 1 : i32
      %broadcast_in_dim3A_119 = vector.broadcast %broadcast_in_dim3A_118 : i32 to vector<16xi32>
      %gather3A_120 = tpu.vector_load_idx %arg20[%add3A_117, %broadcast_in_dim3A_119] : memref<32x128xf32, #tpu.memory_space<vmem>>[vector<16xi32>, vector<16xi32>], vector<16xf32>,
      %add3A_121 = arith.constant 0 : i32
      %add3A_122 = vector.broadcast %add3A_121 : i32 to vector<16xi32>
      %add3A_123 = arith.addi %add3A_122, %iota3A : vector<16xi32>
      %broadcast_in_dim3A_124 = arith.constant 5 : i32
      %broadcast_in_dim3A_125 = vector.broadcast %broadcast_in_dim3A_124 : i32 to vector<16xi32>
      %gather3A_126 = tpu.vector_load_idx %arg21[%add3A_123, %broadcast_in_dim3A_125] : memref<32x128xf32, #tpu.memory_space<vmem>>[vector<16xi32>, vector<16xi32>], vector<16xf32>,
      %add3A_127 = arith.addf %gather3A_120, %gather3A_126 : vector<16xf32>
      %mul3A_128 = arith.constant 2.000000e-01 : f32
      %mul3A_129 = vector.broadcast %mul3A_128 : f32 to vector<16xf32>
      %mul3A_130 = arith.mulf %mul3A_129, %add3A_127 : vector<16xf32>
      %max3A_131 = arith.maximumf %add3A_127, %mul3A_130 : vector<16xf32>
      %add3A_132 = arith.addf %get3A_16, %gather3A_126 : vector<16xf32>
      %mul3A_133 = arith.constant 2.000000e-01 : f32
      %mul3A_134 = vector.broadcast %mul3A_133 : f32 to vector<16xf32>
      %mul3A_135 = arith.mulf %mul3A_134, %add3A_132 : vector<16xf32>
      %max3A_136 = arith.maximumf %add3A_132, %mul3A_135 : vector<16xf32>
      %sub3A_137 = arith.subf %max3A_131, %max3A_136 : vector<16xf32>
      %exp3A_138 = math.exp %sub3A_137 : vector<16xf32>
      %add3A_139 = arith.constant 0 : i32
      %add3A_140 = vector.broadcast %add3A_139 : i32 to vector<16xi32>
      %add3A_141 = arith.addi %add3A_140, %iota3A : vector<16xi32>
      %broadcast_in_dim3A_142 = arith.constant 1 : i32
      %broadcast_in_dim3A_143 = vector.broadcast %broadcast_in_dim3A_142 : i32 to vector<16xi32>
      tpu.vector_store_idx %arg19[%add3A_141, %broadcast_in_dim3A_143], %exp3A_138 : memref<32x8xf32, #tpu.memory_space<vmem>>[vector<16xi32>, vector<16xi32>], vector<16xf32>,
      %add3A_144 = arith.constant 0 : i32
      %add3A_145 = vector.broadcast %add3A_144 : i32 to vector<16xi32>
      %add3A_146 = arith.addi %add3A_145, %iota3A : vector<16xi32>
      %add3A_147 = arith.constant 1 : i32
      %add3A_148 = vector.broadcast %add3A_147 : i32 to vector<16xi32>
      %add3A_149 = arith.addi %mul3A_83, %add3A_148 : vector<16xi32>
      tpu.vector_store_idx %arg18[%add3A_146, %add3A_149], %exp3A_138 : memref<32x128xf32, #tpu.memory_space<vmem>>[vector<16xi32>, vector<16xi32>], vector<16xf32>,
      %add3A_150 = arith.constant 0 : i32
      %add3A_151 = vector.broadcast %add3A_150 : i32 to vector<16xi32>
      %add3A_152 = arith.addi %add3A_151, %iota3A : vector<16xi32>
      %broadcast_in_dim3A_153 = arith.constant 2 : i32
      %broadcast_in_dim3A_154 = vector.broadcast %broadcast_in_dim3A_153 : i32 to vector<16xi32>
      %gather3A_155 = tpu.vector_load_idx %arg20[%add3A_152, %broadcast_in_dim3A_154] : memref<32x128xf32, #tpu.memory_space<vmem>>[vector<16xi32>, vector<16xi32>], vector<16xf32>,
      %add3A_156 = arith.constant 0 : i32
      %add3A_157 = vector.broadcast %add3A_156 : i32 to vector<16xi32>
      %add3A_158 = arith.addi %add3A_157, %iota3A : vector<16xi32>
      %broadcast_in_dim3A_159 = arith.constant 6 : i32
      %broadcast_in_dim3A_160 = vector.broadcast %broadcast_in_dim3A_159 : i32 to vector<16xi32>
      %gather3A_161 = tpu.vector_load_idx %arg21[%add3A_158, %broadcast_in_dim3A_160] : memref<32x128xf32, #tpu.memory_space<vmem>>[vector<16xi32>, vector<16xi32>], vector<16xf32>,
      %add3A_162 = arith.addf %gather3A_155, %gather3A_161 : vector<16xf32>
      %mul3A_163 = arith.constant 2.000000e-01 : f32
      %mul3A_164 = vector.broadcast %mul3A_163 : f32 to vector<16xf32>
      %mul3A_165 = arith.mulf %mul3A_164, %add3A_162 : vector<16xf32>
      %max3A_166 = arith.maximumf %add3A_162, %mul3A_165 : vector<16xf32>
      %add3A_167 = arith.addf %get3A_18, %gather3A_161 : vector<16xf32>
      %mul3A_168 = arith.constant 2.000000e-01 : f32
      %mul3A_169 = vector.broadcast %mul3A_168 : f32 to vector<16xf32>
      %mul3A_170 = arith.mulf %mul3A_169, %add3A_167 : vector<16xf32>
      %max3A_171 = arith.maximumf %add3A_167, %mul3A_170 : vector<16xf32>
      %sub3A_172 = arith.subf %max3A_166, %max3A_171 : vector<16xf32>
      %exp3A_173 = math.exp %sub3A_172 : vector<16xf32>
      %add3A_174 = arith.constant 0 : i32
      %add3A_175 = vector.broadcast %add3A_174 : i32 to vector<16xi32>
      %add3A_176 = arith.addi %add3A_175, %iota3A : vector<16xi32>
      %broadcast_in_dim3A_177 = arith.constant 2 : i32
      %broadcast_in_dim3A_178 = vector.broadcast %broadcast_in_dim3A_177 : i32 to vector<16xi32>
      tpu.vector_store_idx %arg19[%add3A_176, %broadcast_in_dim3A_178], %exp3A_173 : memref<32x8xf32, #tpu.memory_space<vmem>>[vector<16xi32>, vector<16xi32>], vector<16xf32>,
      %add3A_179 = arith.constant 0 : i32
      %add3A_180 = vector.broadcast %add3A_179 : i32 to vector<16xi32>
      %add3A_181 = arith.addi %add3A_180, %iota3A : vector<16xi32>
      %add3A_182 = arith.constant 2 : i32
      %add3A_183 = vector.broadcast %add3A_182 : i32 to vector<16xi32>
      %add3A_184 = arith.addi %mul3A_83, %add3A_183 : vector<16xi32>
      tpu.vector_store_idx %arg18[%add3A_181, %add3A_184], %exp3A_173 : memref<32x128xf32, #tpu.memory_space<vmem>>[vector<16xi32>, vector<16xi32>], vector<16xf32>,
      %add3A_185 = arith.constant 0 : i32
      %add3A_186 = vector.broadcast %add3A_185 : i32 to vector<16xi32>
      %add3A_187 = arith.addi %add3A_186, %iota3A : vector<16xi32>
      %broadcast_in_dim3A_188 = arith.constant 3 : i32
      %broadcast_in_dim3A_189 = vector.broadcast %broadcast_in_dim3A_188 : i32 to vector<16xi32>
      %gather3A_190 = tpu.vector_load_idx %arg20[%add3A_187, %broadcast_in_dim3A_189] : memref<32x128xf32, #tpu.memory_space<vmem>>[vector<16xi32>, vector<16xi32>], vector<16xf32>,
      %add3A_191 = arith.constant 0 : i32
      %add3A_192 = vector.broadcast %add3A_191 : i32 to vector<16xi32>
      %add3A_193 = arith.addi %add3A_192, %iota3A : vector<16xi32>
      %broadcast_in_dim3A_194 = arith.constant 7 : i32
      %broadcast_in_dim3A_195 = vector.broadcast %broadcast_in_dim3A_194 : i32 to vector<16xi32>
      %gather3A_196 = tpu.vector_load_idx %arg21[%add3A_193, %broadcast_in_dim3A_195] : memref<32x128xf32, #tpu.memory_space<vmem>>[vector<16xi32>, vector<16xi32>], vector<16xf32>,
      %add3A_197 = arith.addf %gather3A_190, %gather3A_196 : vector<16xf32>
      %mul3A_198 = arith.constant 2.000000e-01 : f32
      %mul3A_199 = vector.broadcast %mul3A_198 : f32 to vector<16xf32>
      %mul3A_200 = arith.mulf %mul3A_199, %add3A_197 : vector<16xf32>
      %max3A_201 = arith.maximumf %add3A_197, %mul3A_200 : vector<16xf32>
      %add3A_202 = arith.addf %get3A_20, %gather3A_196 : vector<16xf32>
      %mul3A_203 = arith.constant 2.000000e-01 : f32
      %mul3A_204 = vector.broadcast %mul3A_203 : f32 to vector<16xf32>
      %mul3A_205 = arith.mulf %mul3A_204, %add3A_202 : vector<16xf32>
      %max3A_206 = arith.maximumf %add3A_202, %mul3A_205 : vector<16xf32>
      %sub3A_207 = arith.subf %max3A_201, %max3A_206 : vector<16xf32>
      %exp3A_208 = math.exp %sub3A_207 : vector<16xf32>
      %add3A_209 = arith.constant 0 : i32
      %add3A_210 = vector.broadcast %add3A_209 : i32 to vector<16xi32>
      %add3A_211 = arith.addi %add3A_210, %iota3A : vector<16xi32>
      %broadcast_in_dim3A_212 = arith.constant 3 : i32
      %broadcast_in_dim3A_213 = vector.broadcast %broadcast_in_dim3A_212 : i32 to vector<16xi32>
      tpu.vector_store_idx %arg19[%add3A_211, %broadcast_in_dim3A_213], %exp3A_208 : memref<32x8xf32, #tpu.memory_space<vmem>>[vector<16xi32>, vector<16xi32>], vector<16xf32>,
      %add3A_214 = arith.constant 0 : i32
      %add3A_215 = vector.broadcast %add3A_214 : i32 to vector<16xi32>
      %add3A_216 = arith.addi %add3A_215, %iota3A : vector<16xi32>
      %add3A_217 = arith.constant 3 : i32
      %add3A_218 = vector.broadcast %add3A_217 : i32 to vector<16xi32>
      %add3A_219 = arith.addi %mul3A_83, %add3A_218 : vector<16xi32>
      tpu.vector_store_idx %arg18[%add3A_216, %add3A_219], %exp3A_208 : memref<32x128xf32, #tpu.memory_space<vmem>>[vector<16xi32>, vector<16xi32>], vector<16xf32>,
      %get3A_220 = arith.constant 16 : index
      %get3A_221 = tpu.vector_load %arg13[%get3A_220] {strides = array<i32>} : memref<32xi32, #tpu.memory_space<vmem>>, vector<16xi32>,
      %get3A_222 = arith.constant 16 : index
      %get3A_223 = tpu.vector_load %arg14[%get3A_222] {strides = array<i32>} : memref<32xi32, #tpu.memory_space<vmem>>, vector<16xi32>,
      %shift_right_arithmetic3A_224 = arith.constant 3 : i32
      %shift_right_arithmetic3A_225 = vector.broadcast %shift_right_arithmetic3A_224 : i32 to vector<16xi32>
      %shift_right_arithmetic3A_226 = arith.shrsi %get3A_223, %shift_right_arithmetic3A_225 : vector<16xi32>
      %swap3A_227 = arith.constant 16 : index
      %swap3A_228 = tpu.vector_load %arg15[%swap3A_227] {strides = array<i32>} : memref<32xi32, #tpu.memory_space<vmem>>, vector<16xi32>,
      tpu.vector_store %arg15[%swap3A_227], %shift_right_arithmetic3A_226 {strides = array<i32>} : memref<32xi32, #tpu.memory_space<vmem>>, vector<16xi32>,
      %and3A_229 = arith.constant 7 : i32
      %and3A_230 = vector.broadcast %and3A_229 : i32 to vector<16xi32>
      %and3A_231 = arith.andi %get3A_223, %and3A_230 : vector<16xi32>
      %mul3A_232 = arith.constant 4 : i32
      %mul3A_233 = vector.broadcast %mul3A_232 : i32 to vector<16xi32>
      %mul3A_234 = arith.muli %and3A_231, %mul3A_233 : vector<16xi32>
      %add3A_235 = arith.constant 16 : i32
      %add3A_236 = vector.broadcast %add3A_235 : i32 to vector<16xi32>
      %add3A_237 = arith.addi %add3A_236, %iota3A : vector<16xi32>
      %broadcast_in_dim3A_238 = arith.constant 0 : i32
      %broadcast_in_dim3A_239 = vector.broadcast %broadcast_in_dim3A_238 : i32 to vector<16xi32>
      %gather3A_240 = tpu.vector_load_idx %arg20[%add3A_237, %broadcast_in_dim3A_239] : memref<32x128xf32, #tpu.memory_space<vmem>>[vector<16xi32>, vector<16xi32>], vector<16xf32>,
      %add3A_241 = arith.constant 16 : i32
      %add3A_242 = vector.broadcast %add3A_241 : i32 to vector<16xi32>
      %add3A_243 = arith.addi %add3A_242, %iota3A : vector<16xi32>
      %broadcast_in_dim3A_244 = arith.constant 4 : i32
      %broadcast_in_dim3A_245 = vector.broadcast %broadcast_in_dim3A_244 : i32 to vector<16xi32>
      %gather3A_246 = tpu.vector_load_idx %arg21[%add3A_243, %broadcast_in_dim3A_245] : memref<32x128xf32, #tpu.memory_space<vmem>>[vector<16xi32>, vector<16xi32>], vector<16xf32>,
      %add3A_247 = arith.addf %gather3A_240, %gather3A_246 : vector<16xf32>
      %mul3A_248 = arith.constant 2.000000e-01 : f32
      %mul3A_249 = vector.broadcast %mul3A_248 : f32 to vector<16xf32>
      %mul3A_250 = arith.mulf %mul3A_249, %add3A_247 : vector<16xf32>
      %max3A_251 = arith.maximumf %add3A_247, %mul3A_250 : vector<16xf32>
      %add3A_252 = arith.addf %get3A_14, %gather3A_246 : vector<16xf32>
      %mul3A_253 = arith.constant 2.000000e-01 : f32
      %mul3A_254 = vector.broadcast %mul3A_253 : f32 to vector<16xf32>
      %mul3A_255 = arith.mulf %mul3A_254, %add3A_252 : vector<16xf32>
      %max3A_256 = arith.maximumf %add3A_252, %mul3A_255 : vector<16xf32>
      %sub3A_257 = arith.subf %max3A_251, %max3A_256 : vector<16xf32>
      %exp3A_258 = math.exp %sub3A_257 : vector<16xf32>
      %add3A_259 = arith.constant 16 : i32
      %add3A_260 = vector.broadcast %add3A_259 : i32 to vector<16xi32>
      %add3A_261 = arith.addi %add3A_260, %iota3A : vector<16xi32>
      %broadcast_in_dim3A_262 = arith.constant 0 : i32
      %broadcast_in_dim3A_263 = vector.broadcast %broadcast_in_dim3A_262 : i32 to vector<16xi32>
      tpu.vector_store_idx %arg19[%add3A_261, %broadcast_in_dim3A_263], %exp3A_258 : memref<32x8xf32, #tpu.memory_space<vmem>>[vector<16xi32>, vector<16xi32>], vector<16xf32>,
      %add3A_264 = arith.constant 16 : i32
      %add3A_265 = vector.broadcast %add3A_264 : i32 to vector<16xi32>
      %add3A_266 = arith.addi %add3A_265, %iota3A : vector<16xi32>
      %add3A_267 = arith.constant 0 : i32
      %add3A_268 = vector.broadcast %add3A_267 : i32 to vector<16xi32>
      %add3A_269 = arith.addi %mul3A_234, %add3A_268 : vector<16xi32>
      tpu.vector_store_idx %arg18[%add3A_266, %add3A_269], %exp3A_258 : memref<32x128xf32, #tpu.memory_space<vmem>>[vector<16xi32>, vector<16xi32>], vector<16xf32>,
      %add3A_270 = arith.constant 16 : i32
      %add3A_271 = vector.broadcast %add3A_270 : i32 to vector<16xi32>
      %add3A_272 = arith.addi %add3A_271, %iota3A : vector<16xi32>
      %broadcast_in_dim3A_273 = arith.constant 1 : i32
      %broadcast_in_dim3A_274 = vector.broadcast %broadcast_in_dim3A_273 : i32 to vector<16xi32>
      %gather3A_275 = tpu.vector_load_idx %arg20[%add3A_272, %broadcast_in_dim3A_274] : memref<32x128xf32, #tpu.memory_space<vmem>>[vector<16xi32>, vector<16xi32>], vector<16xf32>,
      %add3A_276 = arith.constant 16 : i32
      %add3A_277 = vector.broadcast %add3A_276 : i32 to vector<16xi32>
      %add3A_278 = arith.addi %add3A_277, %iota3A : vector<16xi32>
      %broadcast_in_dim3A_279 = arith.constant 5 : i32
      %broadcast_in_dim3A_280 = vector.broadcast %broadcast_in_dim3A_279 : i32 to vector<16xi32>
      %gather3A_281 = tpu.vector_load_idx %arg21[%add3A_278, %broadcast_in_dim3A_280] : memref<32x128xf32, #tpu.memory_space<vmem>>[vector<16xi32>, vector<16xi32>], vector<16xf32>,
      %add3A_282 = arith.addf %gather3A_275, %gather3A_281 : vector<16xf32>
      %mul3A_283 = arith.constant 2.000000e-01 : f32
      %mul3A_284 = vector.broadcast %mul3A_283 : f32 to vector<16xf32>
      %mul3A_285 = arith.mulf %mul3A_284, %add3A_282 : vector<16xf32>
      %max3A_286 = arith.maximumf %add3A_282, %mul3A_285 : vector<16xf32>
      %add3A_287 = arith.addf %get3A_16, %gather3A_281 : vector<16xf32>
      %mul3A_288 = arith.constant 2.000000e-01 : f32
      %mul3A_289 = vector.broadcast %mul3A_288 : f32 to vector<16xf32>
      %mul3A_290 = arith.mulf %mul3A_289, %add3A_287 : vector<16xf32>
      %max3A_291 = arith.maximumf %add3A_287, %mul3A_290 : vector<16xf32>
      %sub3A_292 = arith.subf %max3A_286, %max3A_291 : vector<16xf32>
      %exp3A_293 = math.exp %sub3A_292 : vector<16xf32>
      %add3A_294 = arith.constant 16 : i32
      %add3A_295 = vector.broadcast %add3A_294 : i32 to vector<16xi32>
      %add3A_296 = arith.addi %add3A_295, %iota3A : vector<16xi32>
      %broadcast_in_dim3A_297 = arith.constant 1 : i32
      %broadcast_in_dim3A_298 = vector.broadcast %broadcast_in_dim3A_297 : i32 to vector<16xi32>
      tpu.vector_store_idx %arg19[%add3A_296, %broadcast_in_dim3A_298], %exp3A_293 : memref<32x8xf32, #tpu.memory_space<vmem>>[vector<16xi32>, vector<16xi32>], vector<16xf32>,
      %add3A_299 = arith.constant 16 : i32
      %add3A_300 = vector.broadcast %add3A_299 : i32 to vector<16xi32>
      %add3A_301 = arith.addi %add3A_300, %iota3A : vector<16xi32>
      %add3A_302 = arith.constant 1 : i32
      %add3A_303 = vector.broadcast %add3A_302 : i32 to vector<16xi32>
      %add3A_304 = arith.addi %mul3A_234, %add3A_303 : vector<16xi32>
      tpu.vector_store_idx %arg18[%add3A_301, %add3A_304], %exp3A_293 : memref<32x128xf32, #tpu.memory_space<vmem>>[vector<16xi32>, vector<16xi32>], vector<16xf32>,
      %add3A_305 = arith.constant 16 : i32
      %add3A_306 = vector.broadcast %add3A_305 : i32 to vector<16xi32>
      %add3A_307 = arith.addi %add3A_306, %iota3A : vector<16xi32>
      %broadcast_in_dim3A_308 = arith.constant 2 : i32
      %broadcast_in_dim3A_309 = vector.broadcast %broadcast_in_dim3A_308 : i32 to vector<16xi32>
      %gather3A_310 = tpu.vector_load_idx %arg20[%add3A_307, %broadcast_in_dim3A_309] : memref<32x128xf32, #tpu.memory_space<vmem>>[vector<16xi32>, vector<16xi32>], vector<16xf32>,
      %add3A_311 = arith.constant 16 : i32
      %add3A_312 = vector.broadcast %add3A_311 : i32 to vector<16xi32>
      %add3A_313 = arith.addi %add3A_312, %iota3A : vector<16xi32>
      %broadcast_in_dim3A_314 = arith.constant 6 : i32
      %broadcast_in_dim3A_315 = vector.broadcast %broadcast_in_dim3A_314 : i32 to vector<16xi32>
      %gather3A_316 = tpu.vector_load_idx %arg21[%add3A_313, %broadcast_in_dim3A_315] : memref<32x128xf32, #tpu.memory_space<vmem>>[vector<16xi32>, vector<16xi32>], vector<16xf32>,
      %add3A_317 = arith.addf %gather3A_310, %gather3A_316 : vector<16xf32>
      %mul3A_318 = arith.constant 2.000000e-01 : f32
      %mul3A_319 = vector.broadcast %mul3A_318 : f32 to vector<16xf32>
      %mul3A_320 = arith.mulf %mul3A_319, %add3A_317 : vector<16xf32>
      %max3A_321 = arith.maximumf %add3A_317, %mul3A_320 : vector<16xf32>
      %add3A_322 = arith.addf %get3A_18, %gather3A_316 : vector<16xf32>
      %mul3A_323 = arith.constant 2.000000e-01 : f32
      %mul3A_324 = vector.broadcast %mul3A_323 : f32 to vector<16xf32>
      %mul3A_325 = arith.mulf %mul3A_324, %add3A_322 : vector<16xf32>
      %max3A_326 = arith.maximumf %add3A_322, %mul3A_325 : vector<16xf32>
      %sub3A_327 = arith.subf %max3A_321, %max3A_326 : vector<16xf32>
      %exp3A_328 = math.exp %sub3A_327 : vector<16xf32>
      %add3A_329 = arith.constant 16 : i32
      %add3A_330 = vector.broadcast %add3A_329 : i32 to vector<16xi32>
      %add3A_331 = arith.addi %add3A_330, %iota3A : vector<16xi32>
      %broadcast_in_dim3A_332 = arith.constant 2 : i32
      %broadcast_in_dim3A_333 = vector.broadcast %broadcast_in_dim3A_332 : i32 to vector<16xi32>
      tpu.vector_store_idx %arg19[%add3A_331, %broadcast_in_dim3A_333], %exp3A_328 : memref<32x8xf32, #tpu.memory_space<vmem>>[vector<16xi32>, vector<16xi32>], vector<16xf32>,
      %add3A_334 = arith.constant 16 : i32
      %add3A_335 = vector.broadcast %add3A_334 : i32 to vector<16xi32>
      %add3A_336 = arith.addi %add3A_335, %iota3A : vector<16xi32>
      %add3A_337 = arith.constant 2 : i32
      %add3A_338 = vector.broadcast %add3A_337 : i32 to vector<16xi32>
      %add3A_339 = arith.addi %mul3A_234, %add3A_338 : vector<16xi32>
      tpu.vector_store_idx %arg18[%add3A_336, %add3A_339], %exp3A_328 : memref<32x128xf32, #tpu.memory_space<vmem>>[vector<16xi32>, vector<16xi32>], vector<16xf32>,
      %add3A_340 = arith.constant 16 : i32
      %add3A_341 = vector.broadcast %add3A_340 : i32 to vector<16xi32>
      %add3A_342 = arith.addi %add3A_341, %iota3A : vector<16xi32>
      %broadcast_in_dim3A_343 = arith.constant 3 : i32
      %broadcast_in_dim3A_344 = vector.broadcast %broadcast_in_dim3A_343 : i32 to vector<16xi32>
      %gather3A_345 = tpu.vector_load_idx %arg20[%add3A_342, %broadcast_in_dim3A_344] : memref<32x128xf32, #tpu.memory_space<vmem>>[vector<16xi32>, vector<16xi32>], vector<16xf32>,
      %add3A_346 = arith.constant 16 : i32
      %add3A_347 = vector.broadcast %add3A_346 : i32 to vector<16xi32>
      %add3A_348 = arith.addi %add3A_347, %iota3A : vector<16xi32>
      %broadcast_in_dim3A_349 = arith.constant 7 : i32
      %broadcast_in_dim3A_350 = vector.broadcast %broadcast_in_dim3A_349 : i32 to vector<16xi32>
      %gather3A_351 = tpu.vector_load_idx %arg21[%add3A_348, %broadcast_in_dim3A_350] : memref<32x128xf32, #tpu.memory_space<vmem>>[vector<16xi32>, vector<16xi32>], vector<16xf32>,
      %add3A_352 = arith.addf %gather3A_345, %gather3A_351 : vector<16xf32>
      %mul3A_353 = arith.constant 2.000000e-01 : f32
      %mul3A_354 = vector.broadcast %mul3A_353 : f32 to vector<16xf32>
      %mul3A_355 = arith.mulf %mul3A_354, %add3A_352 : vector<16xf32>
      %max3A_356 = arith.maximumf %add3A_352, %mul3A_355 : vector<16xf32>
      %add3A_357 = arith.addf %get3A_20, %gather3A_351 : vector<16xf32>
      %mul3A_358 = arith.constant 2.000000e-01 : f32
      %mul3A_359 = vector.broadcast %mul3A_358 : f32 to vector<16xf32>
      %mul3A_360 = arith.mulf %mul3A_359, %add3A_357 : vector<16xf32>
      %max3A_361 = arith.maximumf %add3A_357, %mul3A_360 : vector<16xf32>
      %sub3A_362 = arith.subf %max3A_356, %max3A_361 : vector<16xf32>
      %exp3A_363 = math.exp %sub3A_362 : vector<16xf32>
      %add3A_364 = arith.constant 16 : i32
      %add3A_365 = vector.broadcast %add3A_364 : i32 to vector<16xi32>
      %add3A_366 = arith.addi %add3A_365, %iota3A : vector<16xi32>
      %broadcast_in_dim3A_367 = arith.constant 3 : i32
      %broadcast_in_dim3A_368 = vector.broadcast %broadcast_in_dim3A_367 : i32 to vector<16xi32>
      tpu.vector_store_idx %arg19[%add3A_366, %broadcast_in_dim3A_368], %exp3A_363 : memref<32x8xf32, #tpu.memory_space<vmem>>[vector<16xi32>, vector<16xi32>], vector<16xf32>,
      %add3A_369 = arith.constant 16 : i32
      %add3A_370 = vector.broadcast %add3A_369 : i32 to vector<16xi32>
      %add3A_371 = arith.addi %add3A_370, %iota3A : vector<16xi32>
      %add3A_372 = arith.constant 3 : i32
      %add3A_373 = vector.broadcast %add3A_372 : i32 to vector<16xi32>
      %add3A_374 = arith.addi %mul3A_234, %add3A_373 : vector<16xi32>
      tpu.vector_store_idx %arg18[%add3A_371, %add3A_374], %exp3A_363 : memref<32x128xf32, #tpu.memory_space<vmem>>[vector<16xi32>, vector<16xi32>], vector<16xf32>,
      %scan3A_375 = arith.constant 0 : i32
      %scan3A_376 = arith.constant 32 : i32
      %scan3A_377 = arith.addi %scan3A_375, %scan3A_376 : i32
      %scan3A_378 = arith.constant 1 : i32
      scf.for %scan3A_380 = %scan3A_375 to %scan3A_377 step %scan3A_378  : i32 {
        %mul3A_381 = arith.constant 1 : i32
        %mul3A_382 = arith.muli %scan3A_380, %mul3A_381 : i32
        %add3A_383 = arith.constant 0 : i32
        %add3A_384 = arith.addi %add3A_383, %mul3A_382 : i32
        %broadcast_in_dim3A_385 = arith.constant 0 : i32
        %broadcast_in_dim3A_386 = vector.broadcast %broadcast_in_dim3A_385 : i32 to vector<16xi32>
        %add3A_387 = vector.broadcast %add3A_384 : i32 to vector<16xi32>
        %add3A_388 = arith.addi %broadcast_in_dim3A_386, %add3A_387 : vector<16xi32>
        %broadcast_in_dim3A_389 = arith.constant 0 : i32
        %broadcast_in_dim3A_390 = vector.broadcast %broadcast_in_dim3A_389 : i32 to vector<16xi32>
        %gather3A_391 = tpu.vector_load_idx %arg19[%add3A_388, %broadcast_in_dim3A_390] : memref<32x8xf32, #tpu.memory_space<vmem>>[vector<16xi32>, vector<16xi32>], vector<16xf32>,
        %broadcast_in_dim3A_392 = arith.constant 1 : i32
        %broadcast_in_dim3A_393 = vector.broadcast %broadcast_in_dim3A_392 : i32 to vector<16xi32>
        %gather3A_394 = tpu.vector_load_idx %arg19[%add3A_388, %broadcast_in_dim3A_393] : memref<32x8xf32, #tpu.memory_space<vmem>>[vector<16xi32>, vector<16xi32>], vector<16xf32>,
        %broadcast_in_dim3A_395 = arith.constant 2 : i32
        %broadcast_in_dim3A_396 = vector.broadcast %broadcast_in_dim3A_395 : i32 to vector<16xi32>
        %gather3A_397 = tpu.vector_load_idx %arg19[%add3A_388, %broadcast_in_dim3A_396] : memref<32x8xf32, #tpu.memory_space<vmem>>[vector<16xi32>, vector<16xi32>], vector<16xf32>,
        %broadcast_in_dim3A_398 = arith.constant 3 : i32
        %broadcast_in_dim3A_399 = vector.broadcast %broadcast_in_dim3A_398 : i32 to vector<16xi32>
        %gather3A_400 = tpu.vector_load_idx %arg19[%add3A_388, %broadcast_in_dim3A_399] : memref<32x8xf32, #tpu.memory_space<vmem>>[vector<16xi32>, vector<16xi32>], vector<16xf32>,
        %get3A_401 = arith.index_cast %add3A_384 : i32 to index
        %get3A_402 = arith.constant 0 : index
        %get3A_403 = tpu.vector_load %arg16[%get3A_401, %get3A_402] {strides = array<i32>} : memref<32x128xf32, #tpu.memory_space<vmem>>, vector<16xf32>,
        %mul3A_404 = arith.mulf %get3A_403, %gather3A_391 : vector<16xf32>
        %swap3A_405 = arith.index_cast %add3A_384 : i32 to index
        %swap3A_406 = arith.constant 0 : index
        %swap3A_407 = tpu.vector_load %arg17[%swap3A_405, %swap3A_406] {strides = array<i32>} : memref<32x128xf32, #tpu.memory_space<vmem>>, vector<16xf32>,
        tpu.vector_store %arg17[%swap3A_405, %swap3A_406], %mul3A_404 {strides = array<i32>} : memref<32x128xf32, #tpu.memory_space<vmem>>, vector<16xf32>,
        %get3A_408 = arith.index_cast %add3A_384 : i32 to index
        %get3A_409 = arith.constant 16 : index
        %get3A_410 = tpu.vector_load %arg16[%get3A_408, %get3A_409] {strides = array<i32>} : memref<32x128xf32, #tpu.memory_space<vmem>>, vector<16xf32>,
        %mul3A_411 = arith.mulf %get3A_410, %gather3A_391 : vector<16xf32>
        %swap3A_412 = arith.index_cast %add3A_384 : i32 to index
        %swap3A_413 = arith.constant 16 : index
        %swap3A_414 = tpu.vector_load %arg17[%swap3A_412, %swap3A_413] {strides = array<i32>} : memref<32x128xf32, #tpu.memory_space<vmem>>, vector<16xf32>,
        tpu.vector_store %arg17[%swap3A_412, %swap3A_413], %mul3A_411 {strides = array<i32>} : memref<32x128xf32, #tpu.memory_space<vmem>>, vector<16xf32>,
        %get3A_415 = arith.index_cast %add3A_384 : i32 to index
        %get3A_416 = arith.constant 32 : index
        %get3A_417 = tpu.vector_load %arg16[%get3A_415, %get3A_416] {strides = array<i32>} : memref<32x128xf32, #tpu.memory_space<vmem>>, vector<16xf32>,
        %mul3A_418 = arith.mulf %get3A_417, %gather3A_394 : vector<16xf32>
        %swap3A_419 = arith.index_cast %add3A_384 : i32 to index
        %swap3A_420 = arith.constant 32 : index
        %swap3A_421 = tpu.vector_load %arg17[%swap3A_419, %swap3A_420] {strides = array<i32>} : memref<32x128xf32, #tpu.memory_space<vmem>>, vector<16xf32>,
        tpu.vector_store %arg17[%swap3A_419, %swap3A_420], %mul3A_418 {strides = array<i32>} : memref<32x128xf32, #tpu.memory_space<vmem>>, vector<16xf32>,
        %get3A_422 = arith.index_cast %add3A_384 : i32 to index
        %get3A_423 = arith.constant 48 : index
        %get3A_424 = tpu.vector_load %arg16[%get3A_422, %get3A_423] {strides = array<i32>} : memref<32x128xf32, #tpu.memory_space<vmem>>, vector<16xf32>,
        %mul3A_425 = arith.mulf %get3A_424, %gather3A_394 : vector<16xf32>
        %swap3A_426 = arith.index_cast %add3A_384 : i32 to index
        %swap3A_427 = arith.constant 48 : index
        %swap3A_428 = tpu.vector_load %arg17[%swap3A_426, %swap3A_427] {strides = array<i32>} : memref<32x128xf32, #tpu.memory_space<vmem>>, vector<16xf32>,
        tpu.vector_store %arg17[%swap3A_426, %swap3A_427], %mul3A_425 {strides = array<i32>} : memref<32x128xf32, #tpu.memory_space<vmem>>, vector<16xf32>,
        %get3A_429 = arith.index_cast %add3A_384 : i32 to index
        %get3A_430 = arith.constant 64 : index
        %get3A_431 = tpu.vector_load %arg16[%get3A_429, %get3A_430] {strides = array<i32>} : memref<32x128xf32, #tpu.memory_space<vmem>>, vector<16xf32>,
        %mul3A_432 = arith.mulf %get3A_431, %gather3A_397 : vector<16xf32>
        %swap3A_433 = arith.index_cast %add3A_384 : i32 to index
        %swap3A_434 = arith.constant 64 : index
        %swap3A_435 = tpu.vector_load %arg17[%swap3A_433, %swap3A_434] {strides = array<i32>} : memref<32x128xf32, #tpu.memory_space<vmem>>, vector<16xf32>,
        tpu.vector_store %arg17[%swap3A_433, %swap3A_434], %mul3A_432 {strides = array<i32>} : memref<32x128xf32, #tpu.memory_space<vmem>>, vector<16xf32>,
        %get3A_436 = arith.index_cast %add3A_384 : i32 to index
        %get3A_437 = arith.constant 80 : index
        %get3A_438 = tpu.vector_load %arg16[%get3A_436, %get3A_437] {strides = array<i32>} : memref<32x128xf32, #tpu.memory_space<vmem>>, vector<16xf32>,
        %mul3A_439 = arith.mulf %get3A_438, %gather3A_397 : vector<16xf32>
        %swap3A_440 = arith.index_cast %add3A_384 : i32 to index
        %swap3A_441 = arith.constant 80 : index
        %swap3A_442 = tpu.vector_load %arg17[%swap3A_440, %swap3A_441] {strides = array<i32>} : memref<32x128xf32, #tpu.memory_space<vmem>>, vector<16xf32>,
        tpu.vector_store %arg17[%swap3A_440, %swap3A_441], %mul3A_439 {strides = array<i32>} : memref<32x128xf32, #tpu.memory_space<vmem>>, vector<16xf32>,
        %get3A_443 = arith.index_cast %add3A_384 : i32 to index
        %get3A_444 = arith.constant 96 : index
        %get3A_445 = tpu.vector_load %arg16[%get3A_443, %get3A_444] {strides = array<i32>} : memref<32x128xf32, #tpu.memory_space<vmem>>, vector<16xf32>,
        %mul3A_446 = arith.mulf %get3A_445, %gather3A_400 : vector<16xf32>
        %swap3A_447 = arith.index_cast %add3A_384 : i32 to index
        %swap3A_448 = arith.constant 96 : index
        %swap3A_449 = tpu.vector_load %arg17[%swap3A_447, %swap3A_448] {strides = array<i32>} : memref<32x128xf32, #tpu.memory_space<vmem>>, vector<16xf32>,
        tpu.vector_store %arg17[%swap3A_447, %swap3A_448], %mul3A_446 {strides = array<i32>} : memref<32x128xf32, #tpu.memory_space<vmem>>, vector<16xf32>,
        %get3A_450 = arith.index_cast %add3A_384 : i32 to index
        %get3A_451 = arith.constant 112 : index
        %get3A_452 = tpu.vector_load %arg16[%get3A_450, %get3A_451] {strides = array<i32>} : memref<32x128xf32, #tpu.memory_space<vmem>>, vector<16xf32>,
        %mul3A_453 = arith.mulf %get3A_452, %gather3A_400 : vector<16xf32>
        %swap3A_454 = arith.index_cast %add3A_384 : i32 to index
        %swap3A_455 = arith.constant 112 : index
        %swap3A_456 = tpu.vector_load %arg17[%swap3A_454, %swap3A_455] {strides = array<i32>} : memref<32x128xf32, #tpu.memory_space<vmem>>, vector<16xf32>,
        tpu.vector_store %arg17[%swap3A_454, %swap3A_455], %mul3A_453 {strides = array<i32>} : memref<32x128xf32, #tpu.memory_space<vmem>>, vector<16xf32>,
      }
      %scan3A_379 = arith.constant 32 : i32
      "tpu.region"() ({
        %run_scoped3A = tpu.sem_alloc : memref<!tpu.dma_semaphore, #tpu.memory_space<semaphore_mem>>
        %dma_start3A_380 = arith.constant 0 : i32
        %dma_start3A_381 = arith.constant 0 : i32
        %dma_start3A_382 = tpu.memref_slice %arg10[%dma_start3A_380, %dma_start3A_381] : memref<10112x128xf32, #tpu.memory_space<vmem_shared>> -> memref<10112x128xf32, #tpu.memory_space<vmem_shared>>
        tpu.enqueue_indirect_dma source(%arg17 : memref<32x128xf32, #tpu.memory_space<vmem>>) target(%dma_start3A_382 : memref<10112x128xf32, #tpu.memory_space<vmem_shared>>) offsets(%arg14 : memref<32xi32, #tpu.memory_space<vmem>>) semaphore(%run_scoped3A : memref<!tpu.dma_semaphore, #tpu.memory_space<semaphore_mem>>) {add = true}
        %dma_wait3A_383 = arith.constant 0 : i32
        %dma_wait3A_384 = arith.constant 0 : i32
        %dma_wait3A_385 = tpu.memref_slice %arg10[%dma_wait3A_383, %dma_wait3A_384] : memref<10112x128xf32, #tpu.memory_space<vmem_shared>> -> memref<10112x128xf32, #tpu.memory_space<vmem_shared>>
        tpu.wait_indirect_dma semaphore(%run_scoped3A : memref<!tpu.dma_semaphore, #tpu.memory_space<semaphore_mem>>) src(%arg17 : memref<32x128xf32, #tpu.memory_space<vmem>>) dst(%dma_wait3A_385 : memref<10112x128xf32, #tpu.memory_space<vmem_shared>>)
        tpu.yield
      }) : () -> ()
      "tpu.region"() ({
        %run_scoped3A = tpu.sem_alloc : memref<!tpu.dma_semaphore, #tpu.memory_space<semaphore_mem>>
        %dma_start3A_380 = arith.constant 0 : i32
        %dma_start3A_381 = arith.constant 0 : i32
        %dma_start3A_382 = tpu.memref_slice %arg11[%dma_start3A_380, %dma_start3A_381] : memref<1280x128xf32, #tpu.memory_space<vmem_shared>> -> memref<1280x128xf32, #tpu.memory_space<vmem_shared>>
        tpu.enqueue_indirect_dma source(%arg18 : memref<32x128xf32, #tpu.memory_space<vmem>>) target(%dma_start3A_382 : memref<1280x128xf32, #tpu.memory_space<vmem_shared>>) offsets(%arg15 : memref<32xi32, #tpu.memory_space<vmem>>) semaphore(%run_scoped3A : memref<!tpu.dma_semaphore, #tpu.memory_space<semaphore_mem>>) {add = true}
        %dma_wait3A_383 = arith.constant 0 : i32
        %dma_wait3A_384 = arith.constant 0 : i32
        %dma_wait3A_385 = tpu.memref_slice %arg11[%dma_wait3A_383, %dma_wait3A_384] : memref<1280x128xf32, #tpu.memory_space<vmem_shared>> -> memref<1280x128xf32, #tpu.memory_space<vmem_shared>>
        tpu.wait_indirect_dma semaphore(%run_scoped3A : memref<!tpu.dma_semaphore, #tpu.memory_space<semaphore_mem>>) src(%arg18 : memref<32x128xf32, #tpu.memory_space<vmem>>) dst(%dma_wait3A_385 : memref<1280x128xf32, #tpu.memory_space<vmem_shared>>)
        tpu.yield
      }) : () -> ()
    }
    %scan3A_27 = arith.constant 324 : i32
    %barrier3A_28 = arith.constant 0 : index
    tpu.barrier barrier_id(%barrier3A_28)
    %mul3A_29 = arith.constant 632 : i32
    %mul3A_30 = arith.muli %arg1, %mul3A_29 : i32
    %mul3A_31 = arith.constant 10112 : i32
    %mul3A_32 = arith.muli %arg0, %mul3A_31 : i32
    %mul3A_33 = arith.constant 632 : i32
    %mul3A_34 = arith.muli %arg1, %mul3A_33 : i32
    %add3A_35 = arith.addi %mul3A_32, %mul3A_34 : i32
    "tpu.region"() ({
      %run_scoped3A = tpu.sem_alloc : memref<!tpu.dma_semaphore, #tpu.memory_space<semaphore_mem>>
      %dma_start3A = arith.constant 0 : i32
      %dma_start3A_43 = tpu.memref_slice %arg8[%add3A_35, %dma_start3A] : memref<20224x128xf32, #tpu.memory_space<hbm>> -> memref<632x128xf32, #tpu.memory_space<hbm>>
      %dma_start3A_44 = arith.constant 0 : i32
      %dma_start3A_45 = tpu.memref_slice %arg10[%mul3A_30, %dma_start3A_44] : memref<10112x128xf32, #tpu.memory_space<vmem_shared>> -> memref<632x128xf32, #tpu.memory_space<vmem_shared>>
      tpu.enqueue_dma source(%dma_start3A_45 : memref<632x128xf32, #tpu.memory_space<vmem_shared>>) target(%dma_start3A_43 : memref<632x128xf32, #tpu.memory_space<hbm>>) target_semaphore(%run_scoped3A : memref<!tpu.dma_semaphore, #tpu.memory_space<semaphore_mem>>)
      %dma_wait3A = arith.constant 0 : i32
      %dma_wait3A_46 = tpu.memref_slice %arg8[%add3A_35, %dma_wait3A] : memref<20224x128xf32, #tpu.memory_space<hbm>> -> memref<632x128xf32, #tpu.memory_space<hbm>>
      %dma_wait3A_47 = arith.constant 0 : i32
      %dma_wait3A_48 = tpu.memref_slice %arg10[%mul3A_30, %dma_wait3A_47] : memref<10112x128xf32, #tpu.memory_space<vmem_shared>> -> memref<632x128xf32, #tpu.memory_space<vmem_shared>>
      tpu.wait_dma2 semaphore(%run_scoped3A : memref<!tpu.dma_semaphore, #tpu.memory_space<semaphore_mem>>) src(%dma_wait3A_48 : memref<632x128xf32, #tpu.memory_space<vmem_shared>>) dst(%dma_wait3A_46 : memref<632x128xf32, #tpu.memory_space<hbm>>)
      tpu.yield
    }) : () -> ()
    %mul3A_36 = arith.constant 80 : i32
    %mul3A_37 = arith.muli %arg1, %mul3A_36 : i32
    %mul3A_38 = arith.constant 1280 : i32
    %mul3A_39 = arith.muli %arg0, %mul3A_38 : i32
    %mul3A_40 = arith.constant 80 : i32
    %mul3A_41 = arith.muli %arg1, %mul3A_40 : i32
    %add3A_42 = arith.addi %mul3A_39, %mul3A_41 : i32
    "tpu.region"() ({
      %run_scoped3A = tpu.sem_alloc : memref<!tpu.dma_semaphore, #tpu.memory_space<semaphore_mem>>
      %dma_start3A = arith.constant 0 : i32
      %dma_start3A_43 = tpu.memref_slice %arg9[%add3A_42, %dma_start3A] : memref<2560x128xf32, #tpu.memory_space<hbm>> -> memref<80x128xf32, #tpu.memory_space<hbm>>
      %dma_start3A_44 = arith.constant 0 : i32
      %dma_start3A_45 = tpu.memref_slice %arg11[%mul3A_37, %dma_start3A_44] : memref<1280x128xf32, #tpu.memory_space<vmem_shared>> -> memref<80x128xf32, #tpu.memory_space<vmem_shared>>
      tpu.enqueue_dma source(%dma_start3A_45 : memref<80x128xf32, #tpu.memory_space<vmem_shared>>) target(%dma_start3A_43 : memref<80x128xf32, #tpu.memory_space<hbm>>) target_semaphore(%run_scoped3A : memref<!tpu.dma_semaphore, #tpu.memory_space<semaphore_mem>>)
      %dma_wait3A = arith.constant 0 : i32
      %dma_wait3A_46 = tpu.memref_slice %arg9[%add3A_42, %dma_wait3A] : memref<2560x128xf32, #tpu.memory_space<hbm>> -> memref<80x128xf32, #tpu.memory_space<hbm>>
      %dma_wait3A_47 = arith.constant 0 : i32
      %dma_wait3A_48 = tpu.memref_slice %arg11[%mul3A_37, %dma_wait3A_47] : memref<1280x128xf32, #tpu.memory_space<vmem_shared>> -> memref<80x128xf32, #tpu.memory_space<vmem_shared>>
      tpu.wait_dma2 semaphore(%run_scoped3A : memref<!tpu.dma_semaphore, #tpu.memory_space<semaphore_mem>>) src(%dma_wait3A_48 : memref<80x128xf32, #tpu.memory_space<vmem_shared>>) dst(%dma_wait3A_46 : memref<80x128xf32, #tpu.memory_space<hbm>>)
      tpu.yield
    }) : () -> ()
    return
  }
}

module attributes {stable_mosaic.version = 14 : i64} {
  func.func @_prologue(%arg0: i32, %arg1: memref<1000x128xf32, #tpu.memory_space<vmem>>, %arg2: memref<128x128xf32, #tpu.memory_space<vmem>>, %arg3: memref<128x4xf32, #tpu.memory_space<vmem>>, %arg4: memref<128x4xf32, #tpu.memory_space<vmem>>, %arg5: memref<1000x128xf32, #tpu.memory_space<vmem>>, %arg6: memref<1000x4xf32, #tpu.memory_space<vmem>>, %arg7: memref<1000x4xf32, #tpu.memory_space<vmem>>, %arg8: memref<1x4xf32, #tpu.memory_space<vmem>>) attributes {dimension_semantics = [#tpu.dimension_semantics<arbitrary>], iteration_bounds = array<i64: 10>, scalar_prefetch = 0 : i64, scratch_operands = 0 : i64, tpu.core_type = #tpu.core_type<tc>, window_params = [{transform_indices = @transform_0, window_bounds = array<i64: 1000, 128>}, {pipeline_mode = #tpu.pipeline_mode<synchronous>, transform_indices = @transform_1, window_bounds = array<i64: 128, 128>}, {pipeline_mode = #tpu.pipeline_mode<synchronous>, transform_indices = @transform_2, window_bounds = array<i64: 128, 4>}, {pipeline_mode = #tpu.pipeline_mode<synchronous>, transform_indices = @transform_3, window_bounds = array<i64: 128, 4>}, {transform_indices = @transform_4, window_bounds = array<i64: 1000, 128>}, {transform_indices = @transform_5, window_bounds = array<i64: 1000, 4>}, {transform_indices = @transform_6, window_bounds = array<i64: 1000, 4>}, {pipeline_mode = #tpu.pipeline_mode<synchronous>, transform_indices = @transform_7, window_bounds = array<i64: 1, 4>}]} {
    %get3A = arith.constant 0 : index
    %get3A_0 = arith.constant 0 : index
    %get3A_1 = vector.load %arg1[%get3A, %get3A_0] : memref<1000x128xf32, #tpu.memory_space<vmem>>, vector<1000x128xf32>
    %get3A_2 = arith.constant 0 : index
    %get3A_3 = arith.constant 0 : index
    %get3A_4 = vector.load %arg2[%get3A_2, %get3A_3] : memref<128x128xf32, #tpu.memory_space<vmem>>, vector<128x128xf32>
    %dot_general3A = arith.constant dense<0.000000e+00> : vector<1000x128xf32>
    %dot_general3A_5 = tpu.matmul %get3A_1, %get3A_4, %dot_general3A {dimension_numbers = #tpu.dot_dimension_numbers<[1], [0], [0], [1], [0, 0, 1, 1], [], []>, transpose_lhs_hint = false} : vector<1000x128xf32>, vector<128x128xf32>, vector<1000x128xf32> -> vector<1000x128xf32>
    %swap3A = arith.constant 0 : index
    %swap3A_6 = arith.constant 0 : index
    %swap3A_7 = vector.load %arg5[%swap3A, %swap3A_6] : memref<1000x128xf32, #tpu.memory_space<vmem>>, vector<1000x128xf32>
    tpu.vector_store %arg5[%swap3A, %swap3A_6], %dot_general3A_5 {strides = array<i32>} : memref<1000x128xf32, #tpu.memory_space<vmem>>, vector<1000x128xf32>,
    %get3A_8 = arith.constant 0 : index
    %get3A_9 = arith.constant 0 : index
    %get3A_10 = vector.load %arg3[%get3A_8, %get3A_9] : memref<128x4xf32, #tpu.memory_space<vmem>>, vector<128x4xf32>
    %dot_general3A_11 = arith.constant dense<0.000000e+00> : vector<1000x4xf32>
    %dot_general3A_12 = tpu.matmul %dot_general3A_5, %get3A_10, %dot_general3A_11 {dimension_numbers = #tpu.dot_dimension_numbers<[1], [0], [0], [1], [0, 0, 1, 1], [], []>, transpose_lhs_hint = false} : vector<1000x128xf32>, vector<128x4xf32>, vector<1000x4xf32> -> vector<1000x4xf32>
    %get3A_13 = arith.constant 0 : index
    %get3A_14 = arith.constant 0 : index
    %get3A_15 = vector.load %arg4[%get3A_13, %get3A_14] : memref<128x4xf32, #tpu.memory_space<vmem>>, vector<128x4xf32>
    %dot_general3A_16 = arith.constant dense<0.000000e+00> : vector<1000x4xf32>
    %dot_general3A_17 = tpu.matmul %dot_general3A_5, %get3A_15, %dot_general3A_16 {dimension_numbers = #tpu.dot_dimension_numbers<[1], [0], [0], [1], [0, 0, 1, 1], [], []>, transpose_lhs_hint = false} : vector<1000x128xf32>, vector<128x4xf32>, vector<1000x4xf32> -> vector<1000x4xf32>
    %swap3A_18 = arith.constant 0 : index
    %swap3A_19 = arith.constant 0 : index
    %swap3A_20 = vector.load %arg6[%swap3A_18, %swap3A_19] : memref<1000x4xf32, #tpu.memory_space<vmem>>, vector<1000x4xf32>
    tpu.vector_store %arg6[%swap3A_18, %swap3A_19], %dot_general3A_12 {strides = array<i32>} : memref<1000x4xf32, #tpu.memory_space<vmem>>, vector<1000x4xf32>,
    %swap3A_21 = arith.constant 0 : index
    %swap3A_22 = arith.constant 0 : index
    %swap3A_23 = vector.load %arg7[%swap3A_21, %swap3A_22] : memref<1000x4xf32, #tpu.memory_space<vmem>>, vector<1000x4xf32>
    tpu.vector_store %arg7[%swap3A_21, %swap3A_22], %dot_general3A_17 {strides = array<i32>} : memref<1000x4xf32, #tpu.memory_space<vmem>>, vector<1000x4xf32>,
    %eq3A = arith.constant 0 : i32
    %eq3A_24 = arith.cmpi eq, %arg0, %eq3A : i32
    %convert_element_type3A = arith.extui %eq3A_24 : i1 to i32
    %cond3A = arith.constant 0 : i32
    %cond3A_25 = arith.cmpi ne, %convert_element_type3A, %cond3A : i32
    scf.if %cond3A_25 {
      %broadcast_in_dim3A_33 = arith.constant -1.000000e+30 : f32
      %broadcast_in_dim3A_34 = vector.broadcast %broadcast_in_dim3A_33 : f32 to vector<1x4xf32>
      %swap3A_35 = arith.constant 0 : index
      %swap3A_36 = arith.constant 0 : index
      %swap3A_37 = vector.load %arg8[%swap3A_35, %swap3A_36] : memref<1x4xf32, #tpu.memory_space<vmem>>, vector<1x4xf32>
      tpu.vector_store %arg8[%swap3A_35, %swap3A_36], %broadcast_in_dim3A_34 {strides = array<i32>} : memref<1x4xf32, #tpu.memory_space<vmem>>, vector<1x4xf32>,
    } else {
    }
    %get3A_26 = arith.constant 0 : index
    %get3A_27 = arith.constant 0 : index
    %get3A_28 = vector.load %arg8[%get3A_26, %get3A_27] : memref<1x4xf32, #tpu.memory_space<vmem>>, vector<1x4xf32>
    %reduce_max3A = arith.constant dense<0xFF800000> : vector<4xf32>
    %reduce_max3A_29 = vector.multi_reduction <maximumf>, %dot_general3A_12, %reduce_max3A [0] : vector<1000x4xf32> to vector<4xf32>
    %broadcast_in_dim3A = vector.shape_cast %reduce_max3A_29 : vector<4xf32> to vector<1x4xf32>
    %max3A = arith.maximumf %get3A_28, %broadcast_in_dim3A : vector<1x4xf32>
    %swap3A_30 = arith.constant 0 : index
    %swap3A_31 = arith.constant 0 : index
    %swap3A_32 = vector.load %arg8[%swap3A_30, %swap3A_31] : memref<1x4xf32, #tpu.memory_space<vmem>>, vector<1x4xf32>
    tpu.vector_store %arg8[%swap3A_30, %swap3A_31], %max3A {strides = array<i32>} : memref<1x4xf32, #tpu.memory_space<vmem>>, vector<1x4xf32>,
    return
  }
  func.func @transform_0(%arg0: i32) -> (i32, i32) {
    %c0_i32 = arith.constant 0 : i32
    %c0_i32_0 = arith.constant 0 : i32
    return %arg0, %c0_i32 : i32, i32
  }
  func.func @transform_1(%arg0: i32) -> (i32, i32) {
    %c0_i32 = arith.constant 0 : i32
    %c0_i32_0 = arith.constant 0 : i32
    %c0_i32_1 = arith.constant 0 : i32
    return %c0_i32, %c0_i32_0 : i32, i32
  }
  func.func @transform_2(%arg0: i32) -> (i32, i32) {
    %c0_i32 = arith.constant 0 : i32
    %c0_i32_0 = arith.constant 0 : i32
    %c0_i32_1 = arith.constant 0 : i32
    return %c0_i32, %c0_i32_0 : i32, i32
  }
  func.func @transform_3(%arg0: i32) -> (i32, i32) {
    %c0_i32 = arith.constant 0 : i32
    %c0_i32_0 = arith.constant 0 : i32
    %c0_i32_1 = arith.constant 0 : i32
    return %c0_i32, %c0_i32_0 : i32, i32
  }
  func.func @transform_4(%arg0: i32) -> (i32, i32) {
    %c0_i32 = arith.constant 0 : i32
    %c0_i32_0 = arith.constant 0 : i32
    return %arg0, %c0_i32 : i32, i32
  }
  func.func @transform_5(%arg0: i32) -> (i32, i32) {
    %c0_i32 = arith.constant 0 : i32
    %c0_i32_0 = arith.constant 0 : i32
    return %arg0, %c0_i32 : i32, i32
  }
  func.func @transform_6(%arg0: i32) -> (i32, i32) {
    %c0_i32 = arith.constant 0 : i32
    %c0_i32_0 = arith.constant 0 : i32
    return %arg0, %c0_i32 : i32, i32
  }
  func.func @transform_7(%arg0: i32) -> (i32, i32) {
    %c0_i32 = arith.constant 0 : i32
    %c0_i32_0 = arith.constant 0 : i32
    %c0_i32_1 = arith.constant 0 : i32
    return %c0_i32, %c0_i32_0 : i32, i32
  }
}

module attributes {stable_mosaic.version = 14 : i64} {
  func.func @_epilogue(%arg0: i32, %arg1: memref<2x1000x128xf32, #tpu.memory_space<vmem>>, %arg2: memref<1000x4xf32, #tpu.memory_space<vmem>>, %arg3: memref<4x128xf32, #tpu.memory_space<vmem>>, %arg4: memref<1x128xf32, #tpu.memory_space<vmem>>, %arg5: memref<1000x128xf32, #tpu.memory_space<vmem>>) attributes {dimension_semantics = [#tpu.dimension_semantics<arbitrary>], iteration_bounds = array<i64: 10>, scalar_prefetch = 0 : i64, scratch_operands = 0 : i64, tpu.core_type = #tpu.core_type<tc>, window_params = [{transform_indices = @transform_0, window_bounds = array<i64: 2, 1000, 128>}, {transform_indices = @transform_1, window_bounds = array<i64: 1000, 4>}, {pipeline_mode = #tpu.pipeline_mode<synchronous>, transform_indices = @transform_2, window_bounds = array<i64: 4, 128>}, {pipeline_mode = #tpu.pipeline_mode<synchronous>, transform_indices = @transform_3, window_bounds = array<i64: 1, 128>}, {transform_indices = @transform_4, window_bounds = array<i64: 1000, 128>}]} {
    %get3A = arith.constant 0 : index
    %get3A_0 = arith.constant 0 : index
    %get3A_1 = arith.constant 0 : index
    %get3A_2 = vector.load %arg1[%get3A, %get3A_0, %get3A_1] : memref<2x1000x128xf32, #tpu.memory_space<vmem>>, vector<2x1000x128xf32>
    %slice3A = vector.extract_strided_slice %get3A_2 {offsets = [0, 0, 0], sizes = [1, 1000, 128], strides = [1, 1, 1]} : vector<2x1000x128xf32> to vector<1x1000x128xf32>
    %squeeze3A = vector.shape_cast %slice3A : vector<1x1000x128xf32> to vector<1000x128xf32>
    %slice3A_3 = vector.extract_strided_slice %get3A_2 {offsets = [1, 0, 0], sizes = [1, 1000, 128], strides = [1, 1, 1]} : vector<2x1000x128xf32> to vector<1x1000x128xf32>
    %squeeze3A_4 = vector.shape_cast %slice3A_3 : vector<1x1000x128xf32> to vector<1000x128xf32>
    %add3A = arith.addf %squeeze3A, %squeeze3A_4 : vector<1000x128xf32>
    %get3A_5 = arith.constant 0 : index
    %get3A_6 = arith.constant 0 : index
    %get3A_7 = vector.load %arg2[%get3A_5, %get3A_6] : memref<1000x4xf32, #tpu.memory_space<vmem>>, vector<1000x4xf32>
    %max3A = arith.constant 9.99999971E-10 : f32
    %max3A_8 = vector.broadcast %max3A : f32 to vector<1000x4xf32>
    %max3A_9 = arith.maximumf %get3A_7, %max3A_8 : vector<1000x4xf32>
    %div3A = arith.constant 1.000000e+00 : f32
    %div3A_10 = vector.broadcast %div3A : f32 to vector<1000x4xf32>
    %div3A_11 = arith.divf %div3A_10, %max3A_9 : vector<1000x4xf32>
    %get3A_12 = arith.constant 0 : index
    %get3A_13 = arith.constant 0 : index
    %get3A_14 = vector.load %arg3[%get3A_12, %get3A_13] : memref<4x128xf32, #tpu.memory_space<vmem>>, vector<4x128xf32>
    %dot_general3A = arith.constant dense<0.000000e+00> : vector<1000x128xf32>
    %dot_general3A_15 = tpu.matmul %div3A_11, %get3A_14, %dot_general3A {dimension_numbers = #tpu.dot_dimension_numbers<[1], [0], [0], [1], [0, 0, 1, 1], [], []>, transpose_lhs_hint = false} : vector<1000x4xf32>, vector<4x128xf32>, vector<1000x128xf32> -> vector<1000x128xf32>
    %mul3A = arith.mulf %add3A, %dot_general3A_15 : vector<1000x128xf32>
    %get3A_16 = arith.constant 0 : index
    %get3A_17 = arith.constant 0 : index
    %get3A_18 = vector.load %arg4[%get3A_16, %get3A_17] : memref<1x128xf32, #tpu.memory_space<vmem>>, vector<1x128xf32>
    %add3A_19 = vector.broadcast %get3A_18 : vector<1x128xf32> to vector<1000x128xf32>
    %add3A_20 = arith.addf %mul3A, %add3A_19 : vector<1000x128xf32>
    %swap3A = arith.constant 0 : index
    %swap3A_21 = arith.constant 0 : index
    %swap3A_22 = vector.load %arg5[%swap3A, %swap3A_21] : memref<1000x128xf32, #tpu.memory_space<vmem>>, vector<1000x128xf32>
    tpu.vector_store %arg5[%swap3A, %swap3A_21], %add3A_20 {strides = array<i32>} : memref<1000x128xf32, #tpu.memory_space<vmem>>, vector<1000x128xf32>,
    return
  }
  func.func @transform_0(%arg0: i32) -> (i32, i32, i32) {
    %c0_i32 = arith.constant 0 : i32
    %c0_i32_0 = arith.constant 0 : i32
    %c0_i32_1 = arith.constant 0 : i32
    return %c0_i32, %arg0, %c0_i32_0 : i32, i32, i32
  }
  func.func @transform_1(%arg0: i32) -> (i32, i32) {
    %c0_i32 = arith.constant 0 : i32
    %c0_i32_0 = arith.constant 0 : i32
    return %arg0, %c0_i32 : i32, i32
  }
  func.func @transform_2(%arg0: i32) -> (i32, i32) {
    %c0_i32 = arith.constant 0 : i32
    %c0_i32_0 = arith.constant 0 : i32
    %c0_i32_1 = arith.constant 0 : i32
    return %c0_i32, %c0_i32_0 : i32, i32
  }
  func.func @transform_3(%arg0: i32) -> (i32, i32) {
    %c0_i32 = arith.constant 0 : i32
    %c0_i32_0 = arith.constant 0 : i32
    %c0_i32_1 = arith.constant 0 : i32
    return %c0_i32, %c0_i32_0 : i32, i32
  }
  func.func @transform_4(%arg0: i32) -> (i32, i32) {
    %c0_i32 = arith.constant 0 : i32
    %c0_i32_0 = arith.constant 0 : i32
    return %arg0, %c0_i32 : i32, i32
  }
}

</mosaic_0001>

<sc_bundles>
// kernel: kernel.5.cloned.1.call-start
scs
__scs_entry_jumppad:
0x0: {  	(pc) =	sbr.rel $0x88, $3  }
0x1: {  	(tag) =	ssettag $0x0;
	lr =	simm.s32 $0x1  }
0x2: {  	[smem:$0x3F9B] =	sst lr;
	_ =	strace $0xD0000000  }
0x3: {  	_ = 	snop  }
0x4: {  	_ = 	snop  }
0x5: {  	_ = 	snop  }
0x6: {  	_ = 	snop  }
0x7: {  	_ = 	snop  }
__scs_overlays_trampoline_lowered:
0x8: {  	[smem:$0x3FAA] =	sst s0  }
0x9: {  	[smem:$0x3FAB] =	sst s1  }
0xa: {  	[smem:$0x3FAC] =	sst s2  }
0xb: {  	[smem:$0x3FAD] =	sst s3  }
0xc: {  	[smem:$0x3FAE] =	sst s4  }
0xd: {  	[smem:$0x3FAF] =	sst s5  }
0xe: {  	[smem:$0x3FB0] =	sst s6  }
0xf: {  	[smem:$0x3FB1] =	sst s7  }
0x10: {  	[smem:$0x3FB2] =	sst s8  }
0x11: {  	[smem:$0x3FB3] =	sst s9;
	s0 =	simm.s32 @!p0 $0x0  }
0x12: {  	s1 =	sld [smem:$0x3F99];
	s0 =	simm.s32 @p0 $0x1  }
0x13: {  	[smem:$0x3FB4] =	sst s0;
	s0 =	simm.s32 @!p1 $0x0  }
0x14: {  	s2 =	sld [smem:$0x3F98];
	s0 =	simm.s32 @p1 $0x1  }
0x15: {  	[smem:$0x3FB5] =	sst s0;
	s0 =	simm.s32 @!p2 $0x0  }
0x16: {  	s3 =	sld [smem:$0x3FDB];
	s0 =	simm.s32 @p2 $0x1  }
0x17: {  	s4 =	simm.s32 $0x1BF5;
	[smem:$0x3FB7] =	sst s0  }
0x18: {  	s0 =	sld [smem:$0x3F9A];
	_ =	swait.ge [sflag:s4], $0x0  }
0x19: {  	s7 =	sld [smem:$0x3F9B]  }
0x1a: {  	s8 =	sadd.s32 $0xFFFFE003, lr  }
0x1b: {  	s9 =	sadd.s32 $0xFFFFFEF7, lr;
	s5 =	simm.s32 $0xFFFFFFFF;
	p2 =	slt.u32 s8, $0xFFFFF086  }
0x1c: {  	p1 =	slt.u32 s9, $0xF7A;
	s5 =	simm.s32 @!p2 $0x0  }
0x1d: {  	s5 =	simm.s32 @p1 $0x1;
	p0 =	seq.s32 s7, s2  }
0x1e: {  	s7 =	smul.u32 @!p0 $0xF7A, s2;
	p2 =	seq.s32 @!p0 s5, $0x0  }
0x1f: {  	s9 =	smul.u32 $0xF7A, s1;
	s8 =	simm.s32 @!p0 $0x1BF5;
	p2 =	por !p2, p0  }
0x20: {  	[sflag:s8] =	ssyncset.s32 @!p0 $0xFFFFF086;
	s6 =	sadd.s32 @!p0 s3, s7;
	s7 =	simm.s32 @!p0 $0x108  }
0x21: {  	s3 =	sadd.s32 s3, s9;
	s6 =	sadd.s32 @!p0 $0x88, s6;
	s7 =	simm.s32 @p2 $0x1082  }
0x22: {  	[simem:s7], [sflag:s8] =	dma.local @!p0 [hbm:s6], $0xF7A  }
0x23: {  	s9 =	sor.u32 $0xD0000000, s2;
	s6 =	simm.s32 $0x108;
	_ =	swait.ge @!p0 [sflag:s8], $0x0  }
0x24: {  	s3 =	sadd.s32 $0x88, s3;
	s6 =	simm.s32 @!p1 $0x1082;
	[sflag:s4] =	ssyncset.s32 $0xFFFFF086  }
0x25: {  	[simem:s6], [sflag:s4] =	dma.local [hbm:s3], $0xF7A  }
0x26: {  	[smem:$0x3F9B] =	sst s1;
	(tag) =	ssettag s2;
	_ =	strace s9  }
0x27: {  	s1 =	sld [smem:$0x3FAB]  }
0x28: {  	s2 =	sld [smem:$0x3FAC]  }
0x29: {  	s4 =	sld [smem:$0x3FAE]  }
0x2a: {  	p0 =	seq.s32 s5, $0x0;
	s5 =	sld [smem:$0x3FAF]  }
0x2b: {  	s6 =	sld [smem:$0x3FB0]  }
0x2c: {  	s7 =	sld [smem:$0x3FB1]  }
0x2d: {  	s3 =	simm.s32 $0x108;
	s8 =	sld [smem:$0x3FB2]  }
0x2e: {  	s3 =	simm.s32 @!p0 $0x1082;
	s9 =	sld [smem:$0x3FB3]  }
0x2f: {  	lr =	sadd.s32 s0, s3;
	s0 =	sld [smem:$0x3FAA]  }
0x30: {  	s3 =	sld [smem:$0x3FAD]  }
0x31: {  	[smem:$0x3FB6] =	sst s10  }
0x32: {  	s10 =	sld [smem:$0x3FB4];
	_ =	sdelay $0x3  }
0x33: {  	p0 =	seq.s32 s10, $0x1;
	s10 =	sld [smem:$0x3FB6];
	_ =	sdelay $0x3  }
0x34: {  	[smem:$0x3FB6] =	sst s10  }
0x35: {  	s10 =	sld [smem:$0x3FB5];
	_ =	sdelay $0x3  }
0x36: {  	p1 =	seq.s32 s10, $0x1;
	s10 =	sld [smem:$0x3FB6];
	_ =	sdelay $0x3  }
0x37: {  	[smem:$0x3FB6] =	sst s10  }
0x38: {  	s10 =	sld [smem:$0x3FB7]  }
0x39: {  	_ = 	snop;
	(pc) =	sbr.ind lr, $3  }
0x3a: {  	_ = 	snop  }
0x3b: {  	_ = 	snop  }
0x3c: {  	p2 =	seq.s32 s10, $0x1;
	s10 =	sld [smem:$0x3FB6]  }
0x3d: {  	_ =	shalt  }
0x3e: {  	_ =	shalt  }
0x3f: {  	_ =	shalt  }
0x40: {  	_ =	shalt  }
0x41: {  	_ =	shalt  }
0x42: {  	_ =	shalt  }
0x43: {  	_ =	shalt  }
0x44: {  	_ =	shalt  }
0x45: {  	_ =	shalt  }
0x46: {  	_ =	shalt  }
0x47: {  	_ =	shalt  }
0x48: {  	_ =	shalt  }
0x49: {  	_ =	shalt  }
0x4a: {  	_ =	shalt  }
0x4b: {  	_ =	shalt  }
0x4c: {  	_ =	shalt  }
0x4d: {  	_ =	shalt  }
0x4e: {  	_ =	shalt  }
0x4f: {  	_ =	shalt  }
0x50: {  	_ =	shalt  }
0x51: {  	_ =	shalt  }
0x52: {  	_ =	shalt  }
0x53: {  	_ =	shalt  }
0x54: {  	_ =	shalt  }
0x55: {  	_ =	shalt  }
0x56: {  	_ =	shalt  }
0x57: {  	_ =	shalt  }
0x58: {  	_ =	shalt  }
0x59: {  	_ =	shalt  }
0x5a: {  	_ =	shalt  }
0x5b: {  	_ =	shalt  }
0x5c: {  	_ =	shalt  }
0x5d: {  	_ =	shalt  }
0x5e: {  	_ =	shalt  }
0x5f: {  	_ =	shalt  }
0x60: {  	_ =	shalt  }
0x61: {  	_ =	shalt  }
0x62: {  	_ =	shalt  }
0x63: {  	_ =	shalt  }
0x64: {  	_ =	shalt  }
0x65: {  	_ =	shalt  }
0x66: {  	_ =	shalt  }
0x67: {  	_ =	shalt  }
0x68: {  	_ =	shalt  }
0x69: {  	_ =	shalt  }
0x6a: {  	_ =	shalt  }
0x6b: {  	_ =	shalt  }
0x6c: {  	_ =	shalt  }
0x6d: {  	_ =	shalt  }
0x6e: {  	_ =	shalt  }
0x6f: {  	_ =	shalt  }
0x70: {  	_ =	shalt  }
0x71: {  	_ =	shalt  }
0x72: {  	_ =	shalt  }
0x73: {  	_ =	shalt  }
0x74: {  	_ =	shalt  }
0x75: {  	_ =	shalt  }
0x76: {  	_ =	shalt  }
0x77: {  	_ =	shalt  }
0x78: {  	_ =	shalt  }
0x79: {  	_ =	shalt  }
0x7a: {  	_ =	shalt  }
0x7b: {  	_ =	shalt  }
0x7c: {  	_ =	shalt  }
0x7d: {  	_ =	shalt  }
0x7e: {  	_ =	shalt  }
0x7f: {  	_ =	shalt  }
0x80: {  	_ =	shalt  }
0x81: {  	_ =	shalt  }
0x82: {  	_ =	shalt  }
0x83: {  	_ =	shalt  }
0x84: {  	_ =	shalt  }
0x85: {  	_ =	shalt  }
0x86: {  	_ =	shalt  }
0x87: {  	_ =	shalt  }
.Lfunc_end0:
.L_simem_size_0:
called_computation_lowered:
.L_overlay_start_0:
0x88: {  	s2 =	sld [smem:$0x3FD9]  }
0x89: {  	s3 =	sld [smem:$0x3FFE];
	_ =	sdelay $0x1  }
0x8a: {  	s1 =	srdreg.scid  }
0x8b: {  	s0 =	sand.u32 $0x1, s1  }
0x8c: {  	s17 =	sshll.u32 s0, $0xA;
	s2 =	sadd.s32 s3, s2  }
0x8d: {  	s2 =	sadd.s32 s2, s17  }
0x8e: {  	[smem:$0x3FC2] =	sst s2  }
0x8f: {  	_ = 	snop  }
0x90: {  	s2 =	sld [smem:$0x3FD0];
	(tm) =	ssettm $0x1  }
0x91: {  	s18 =	sld [smem:$0x3FFB];
	_ =	sdelay $0x3  }
0x92: {  	_ =	strace s18  }
0x93: {  	s3 =	sld [smem:$0x3FFC];
	_ =	sdelay $0x3  }
0x94: {  	_ =	strace s3  }
0x95: {  	s3 =	sld [smem:$0x3FFD];
	_ =	sdelay $0x3  }
0x96: {  	_ =	strace s3  }
0x97: {  	_ =	strace $0x8FFFFFFF  }
0x98: {  	s19 =	sld [smem:$0x3FDB];
	_ =	sdelay $0x1  }
0x99: {  	s4 =	simm.s32 $_scs_section_size  }
0x9a: {  	s5 =	simm.s32 $_size__tile_overlayer_lowered;
	s6 =	simm.s32 $_tile_overlayer_lowered  }
0x9b: {  	s22 =	simm.s32 $0x1BFF;
	s21 =	sshll.u32 s6, $0x1;
	s3 =	sadd.s32 s4, s19  }
0x9c: {  	s7 =	simm.s32 $0x0;
	s20 =	sshll.u32 s5, $0x1;
	s5 =	sadd.s32 s21, s3  }
0x9d: {  	[timem:s7], [sflag:s22] =	dma.local [hbm:s5], s20  }
0x9e: {  	_ =	swait.ge [sflag:s22], s20  }
0x9f: {  	s4 =	ssub.s32 $0x0, s20;
	[sflag:s22] =	ssyncset.done $0x0  }
0xa0: {  	[sflag:s22] =	ssyncadd.s32 s4;
	_ =	sdelay $0x1  }
0xa1: {  	s23 =	simm.s32 $0x1B8B  }
0xa2: {  	_ =	swait.ge [sflag:s23], $0x1  }
0xa3: {  	[sflag:s23] =	ssyncset.done $0x0  }
0xa4: {  	s25 =	simm.s32 $0x1B8E;
	s24 =	sld [smem:$0x3FFE];
	[sflag:s23] =	ssyncadd.s32 $0xFFFFFFFF  }
0xa5: {  	s26 =	simm.s32 $execute0_lowered;
	[smem:$0x3FD2] =	sst s25  }
0xa6: {  	s5 =	sshll.u32 s26, $0x1;
	_ =	strace $0x80000046;
	[dreg:$0x1] =	wrdreg $0xFFFFFFFF  }
0xa7: {  	s28 =	simm.s32 $_size_execute0_lowered;
	s3 =	sadd.s32 s3, s5;
	[dreg:$0x0] =	wrdreg $0x0  }
0xa8: {  	s5 =	sshll.u32 s28, $0x1;
	[dreg:$0x2] =	wrdreg s3  }
0xa9: {  	[dreg:$0x3] =	wrdreg s5  }
0xaa: {  	[dreg:$0x4] =	wrdreg $0xC0  }
0xab: {  	_ =	task [dreg:s7], $0x5FFFF  }
0xac: {  	[dreg:$0x1] =	wrdreg $0xFFFFFFFF  }
0xad: {  	[dreg:$0x0] =	wrdreg $0x60  }
0xae: {  	[dreg:$0x2] =	wrdreg s24  }
0xaf: {  	[dreg:$0x3] =	wrdreg s2  }
0xb0: {  	[dreg:$0x4] =	wrdreg $0x0  }
0xb1: {  	[dreg:$0x5] =	wrdreg $0x13C000  }
0xb2: {  	[dreg:$0x6] =	wrdreg $0x9  }
0xb3: {  	_ =	task.clear_ibuf [dreg:s7], $0x7FFFF;
	_ =	strace $0x90000046  }
0xb4: {  	s29 =	simm.s32 $0x9;
	_ =	strace $0x80000048  }
0xb5: {  	_ =	swait.ge [sflag:s29], $0x1  }
0xb6: {  	[sflag:s29] =	ssyncadd.s32 $0xFFFFFFFF  }
0xb7: {  	_ =	strace $0x90000048  }
0xb8: {  	_ =	sfence  }
0xb9: {  	s30 =	sld [smem:$0x0];
	_ =	sdelay $0x2  }
0xba: {  	s31 =	sshll.u32 s1, $0xD;
	s1 =	sshrl.u32 s1, $0x2  }
0xbb: {  	s3 =	sand.u32 $0x4000, s31;
	s1 =	sadd.s32 s1, s30  }
0xbc: {  	s0 =	sor.u32 s3, s0;
	s1 =	sshll.u32 s1, $0x11  }
0xbd: {  	s0 =	sor.u32 s1, s0  }
0xbe: {  	s0 =	sadd.s32 $0x8F2B, s0  }
0xbf: {  	[sflag:s0] =	ssyncadd.remote.s32 $0x1  }
0xc0: {  	_ =	sfence.sel $0xFFFF  }
0xc1: {  	[dreg:$0x0] =	wrdreg $0xFFFFFFFF;
	(pc) =	sbr.abs _section_cstart, $3  }
0xc2: {  	[dreg:$0x1] =	wrdreg $0xFFFFFFFF  }
0xc3: {  	_ =	task.clear_ibuf [dreg:s7], $0x2FFFF;
	_ =	strace $0x9FFFFFFF  }
0xc4: {  	(tm) =	ssettm $0x7FFFFFFF  }
0xc5: {  	_ =	shalt  }
tec
execute0_lowered:
.L_overlay_start_1:
0x0: {  	(tag) =	ssettag $0x1  }
0x1: {  	s0 =	rddreg [dreg:$0x0]  }
0x2: {  	s1 =	rddreg [dreg:$0x1]  }
0x3: {  	s2 =	rddreg [dreg:$0x2]  }
0x4: {  	s3 =	rddreg [dreg:$0x3]  }
0x5: {  	s4 =	srdreg.scid;
	s16 =	stileid.u32;
	s5 =	simm.s32 $0x0  }
0x6: {  	s18 =	simm.s32 $0x2;
	s28 =	simm.s32 $0x1B600;
	s7 =	smul.u32 $0x2780, s16  }
0x7: {  	s29 =	simm.s32 $0x19600;
	s30 =	simm.s32 $0x18600;
	s10 =	smul.u32 $0x500, s16  }
0x8: {  	s31 =	simm.s32 $0x17600;
	s4 =	sand.u32 $0x1, s4;
	s13 =	smul.u32 $0x4F000, s16  }
0x9: {  	[smem:$0x7FF] =	sst s5;
	s5 =	sadd.s32 $0x1200, s0;
	s15 =	smul.u32 $0xA000, s16  }
0xa: {  	s6 =	sadd.s32 $0x28600, s0;
	s8 =	sadd.s32 $0x28400, s0;
	s9 =	smul.u32 $0x27800, s4  }
0xb: {  	s23 =	sshll.u32 s16, $0x6;
	_ =	strace $0x80000047;
	s11 =	smul.u32 $0x5000, s4  }
0xc: {  	[dreg:$0x5] =	wrdreg s8;
	s21 =	ssub.s32 $0x2, s4;
	s4 =	sshll.u32 s4, $0x4  }
0xd: {  	s8 =	sadd.s32 $0x4F800, s0;
	s14 =	sshrl.u32 s21, $0x1;
	s4 =	sor.u32 s16, s4  }
0xe: {  	s22 =	sshrl.u32 s13, $0x2;
	s24 =	sshrl.u32 s15, $0x2;
	s12 =	sadd.s32 s7, s9  }
0xf: {  	s9 =	sadd.s32 $0x59A00, s0;
	s11 =	sadd.s32 s10, s11;
	s14 =	ssub.s32 s21, s14  }
0x10: {  	v0 =	vlaneseq.u32;
	s17 =	sadd.s32 s22, s2;
	s7 =	sadd.s32 s1, s7;
	s25 =	sadd.s32 s24, s3  }
0x11: {  	v0 =	vmul.u32 $0x80, v0;
	s1 =	sadd.s32 s1, s10;
	s13 =	smul.u32 $0x2880, s4;
	s21 =	simm.s32 $0x16480  }
0x12: {  	v1 =	vimm.f32 $0.0e+00;
	s22 =	simm.s32 $0x16500;
	s24 =	simm.s32 $0x16600;
	s12 =	sadd.s32 s12, s0  }
0x13: {  	v2 =	vor.u32 $0x4, v0;
	v3 =	vor.u32 $0x1, v0;
	v4 =	vor.u32 $0x5, v0;
	s0 =	sadd.s32 s11, s0;
	[dreg:$0x6] =	wrdreg s7;
	s11 =	sor.u32 $0x1C02, s23  }
0x14: {  	v5 =	vor.u32 $0x2, v0;
	v6 =	vor.u32 $0x6, v0;
	v7 =	vor.u32 $0x3, v0;
	[dreg:$0x7] =	wrdreg s1;
	s16 =	smax.u32 s14, $0x1;
	s17 =	sshrl.u32 s17, $0x3  }
0x15: {  	v8 =	vor.u32 $0x7, v0;
	v9 =	vor.u32 $0x800, v0;
	v10 =	vor.u32 $0x804, v0;
	s19 =	sshrl.u32 s25, $0x3;
	s23 =	simm.s32 $0x20;
	s25 =	simm.s32 $0x1  }
0x16: {  	v11 =	vor.u32 $0x801, v0;
	v12 =	vor.u32 $0x805, v0;
	v13 =	vor.u32 $0x802, v0;
	s1 =	simm.s32 $0x0;
	s26 =	sadd.s32 $0x6DC00, s12;
	s15 =	sadd.s32 $0x63C00, s0  }
0x17: {  	v14 =	vor.u32 $0x806, v0;
	v15 =	vor.u32 $0x803, v0;
	v16 =	vor.u32 $0x807, v0;
	s0 =	simm.s32 $0x16580;
	[dreg:$0x8] =	wrdreg s26;
	s26 =	simm.s32 $0x1A600  }
.LBB2_1:
0x18: {  	s4 =	rddreg [dreg:$0x6]  }
0x19: {  	[spmem:s17], [sflag:s11] =	dma.local [hbm:s4], $0x2780  }
0x1a: {  	_ =	swait.ge [sflag:s18], $0x2780  }
0x1b: {  	[sflag:s18] =	ssyncset.done $0x0  }
0x1c: {  	s14 =	rddreg [dreg:$0x7];
	[sflag:s18] =	ssyncadd.s32 $0xFFFFD880  }
0x1d: {  	[spmem:s19], [sflag:s11] =	dma.local [hbm:s14], $0x500  }
0x1e: {  	_ =	swait.ge [sflag:s18], $0x500  }
0x1f: {  	s20 =	simm.s32 $0x0;
	[sflag:s18] =	ssyncset.done $0x0  }
0x20: {  	s10 =	simm.s32 $0x16400;
	s7 =	rddreg [dreg:$0x5];
	[sflag:s18] =	ssyncadd.s32 $0xFFFFFB00  }
0x21: {  	[tilespmem:s10], [sflag:$0x2] =	stream.linear.gather [hbm4b:s7+s20], $0x80, $0x38;
	[tilespmem:$0x1C600] =	vst v63  }
0x22: {  	_ =	swait.ge [sflag:s18], $0x80  }
0x23: {  	[sflag:s18] =	ssyncset.done $0x0  }
0x24: {  	s4 =	simm.s32 $0x0;
	s7 =	simm.s32 $0x200;
	[sflag:s18] =	ssyncadd.s32 $0xFFFFFF80  }
.LBB2_2:
0x25: {  	p0 =	sne.s32 s7, $0x3E00;
	[tilespmem:s4+$0x18670] =	vst v1  }
0x26: {  	[tilespmem:s4+$0x17600] =	vst v1  }
0x27: {  	[tilespmem:s4+$0x18600] =	vst v1  }
0x28: {  	[tilespmem:s4+$0x17610] =	vst v1  }
0x29: {  	[tilespmem:s4+$0x18610] =	vst v1  }
0x2a: {  	[tilespmem:s4+$0x17620] =	vst v1  }
0x2b: {  	[tilespmem:s4+$0x18620] =	vst v1  }
0x2c: {  	[tilespmem:s4+$0x17630] =	vst v1  }
0x2d: {  	[tilespmem:s4+$0x18630] =	vst v1  }
0x2e: {  	[tilespmem:s4+$0x17640] =	vst v1  }
0x2f: {  	[tilespmem:s4+$0x18640] =	vst v1  }
.Ltmp0:
0x30: {  	[tilespmem:s4+$0x17650] =	vst v1;
	(pc) =	sbr.rel @p0 .LBB2_2-.Ltmp0, $4  }
0x31: {  	[tilespmem:s4+$0x18650] =	vst v1  }
0x32: {  	[tilespmem:s4+$0x17660] =	vst v1  }
0x33: {  	[tilespmem:s4+$0x18660] =	vst v1  }
0x34: {  	[tilespmem:s4+$0x17670] =	vst v1;
	s4 =	sshra.s32 s7, $0x2;
	s7 =	sadd.s32 $0x200, s7  }
0x35: {  	[tilespmem:s4+$0x18670] =	vst v1  }
0x36: {  	[tilespmem:s4+$0x17600] =	vst v1  }
0x37: {  	[tilespmem:s4+$0x18600] =	vst v1  }
0x38: {  	[tilespmem:s4+$0x17610] =	vst v1  }
0x39: {  	[tilespmem:s4+$0x18610] =	vst v1  }
0x3a: {  	[tilespmem:s4+$0x17620] =	vst v1  }
0x3b: {  	[tilespmem:s4+$0x18620] =	vst v1  }
0x3c: {  	[tilespmem:s4+$0x17630] =	vst v1  }
0x3d: {  	[tilespmem:s4+$0x18630] =	vst v1  }
0x3e: {  	[tilespmem:s4+$0x17640] =	vst v1  }
0x3f: {  	[tilespmem:s4+$0x18640] =	vst v1  }
0x40: {  	[tilespmem:s4+$0x17650] =	vst v1  }
0x41: {  	[tilespmem:s4+$0x18650] =	vst v1  }
0x42: {  	[tilespmem:s4+$0x17660] =	vst v1  }
0x43: {  	[tilespmem:s4+$0x18660] =	vst v1  }
0x44: {  	[tilespmem:s4+$0x17670] =	vst v1  }
0x45: {  	[bflag:$0x0] =	sbarrier.arrive $0xFFFF  }
0x46: {  	v17 =	vld [tilespmem:$0x16400]  }
0x47: {  	v18 =	vld [tilespmem:$0x16410]  }
0x48: {  	v19 =	vld [tilespmem:$0x16420]  }
0x49: {  	s4 =	simm.s32 $0x0;
	s20 =	simm.s32 $0x0;
	v20 =	vld [tilespmem:$0x16430]  }
.LBB2_4:
0x4a: {  	s7 =	sshll.u32 s20, $0x5  }
0x4b: {  	s7 =	sadd.s32 s13, s7  }
0x4c: {  	s7 =	sshrl.u32 s7, $0x3  }
0x4d: {  	s10 =	sadd.s32 s8, s7  }
0x4e: {  	[tilespmem:s21], [sflag:$0x2] =	stream.linear.gather [hbm4b:s10+s4], $0x20, $0x38;
	[tilespmem:$0x1C600] =	vst v63  }
0x4f: {  	_ =	swait.ge [sflag:s18], $0x20  }
0x50: {  	[sflag:s18] =	ssyncset.done $0x0  }
0x51: {  	s7 =	sadd.s32 s9, s7;
	[sflag:s18] =	ssyncadd.s32 $0xFFFFFFE0  }
0x52: {  	[tilespmem:s22], [sflag:$0x2] =	stream.linear.gather [hbm4b:s7+s4], $0x20, $0x38;
	[tilespmem:$0x1C600] =	vst v63  }
0x53: {  	_ =	swait.ge [sflag:s18], $0x20  }
0x54: {  	[sflag:s18] =	ssyncset.done $0x0  }
0x55: {  	[sflag:s18] =	ssyncadd.s32 $0xFFFFFFE0  }
0x56: {  	[tilespmem:s24], [sflag:$0x1] =	stream.indirect.gather [hbm4b:s5+s23], $0x80, s21, s23, $0xb8;
	[tilespmem:$0x1C600] =	vst v63  }
0x57: {  	_ =	swait.ge [sflag:s25], $0x1000  }
0x58: {  	[sflag:s25] =	ssyncset.done $0x0  }
0x59: {  	[sflag:s25] =	ssyncadd.s32 $0xFFFFF000  }
0x5a: {  	[tilespmem:s26], [sflag:$0x1] =	stream.indirect.gather [hbm4b:s6+s23], $0x80, s21, s23, $0xb8;
	[tilespmem:$0x1C600] =	vst v63  }
0x5b: {  	_ =	swait.ge [sflag:s25], $0x1000  }
0x5c: {  	[sflag:s25] =	ssyncset.done $0x0  }
0x5d: {  	[sflag:s25] =	ssyncadd.s32 $0xFFFFF000  }
0x5e: {  	[tilespmem:s28], [sflag:$0x1] =	stream.indirect.gather [hbm4b:s6+s23], $0x80, s22, s23, $0xb8;
	[tilespmem:$0x1C600] =	vst v63  }
0x5f: {  	_ =	swait.ge [sflag:s25], $0x1000  }
0x60: {  	[sflag:s25] =	ssyncset.done $0x0  }
0x61: {  	[sflag:s25] =	ssyncadd.s32 $0xFFFFF000  }
0x62: {  	[tilespmem:$0x18600] =	vst v1  }
0x63: {  	[tilespmem:$0x18610] =	vst v1  }
0x64: {  	[tilespmem:$0x18680] =	vst v1  }
0x65: {  	[tilespmem:$0x18690] =	vst v1  }
0x66: {  	[tilespmem:$0x18700] =	vst v1  }
0x67: {  	[tilespmem:$0x18710] =	vst v1  }
0x68: {  	[tilespmem:$0x18780] =	vst v1  }
0x69: {  	[tilespmem:$0x18790] =	vst v1  }
0x6a: {  	[tilespmem:$0x18800] =	vst v1  }
0x6b: {  	[tilespmem:$0x18810] =	vst v1  }
0x6c: {  	[tilespmem:$0x18880] =	vst v1  }
0x6d: {  	[tilespmem:$0x18890] =	vst v1  }
0x6e: {  	[tilespmem:$0x18900] =	vst v1  }
0x6f: {  	[tilespmem:$0x18910] =	vst v1  }
0x70: {  	[tilespmem:$0x18980] =	vst v1  }
0x71: {  	[tilespmem:$0x18990] =	vst v1  }
0x72: {  	[tilespmem:$0x18A00] =	vst v1  }
0x73: {  	[tilespmem:$0x18A10] =	vst v1  }
0x74: {  	[tilespmem:$0x18A80] =	vst v1  }
0x75: {  	[tilespmem:$0x18A90] =	vst v1  }
0x76: {  	[tilespmem:$0x18B00] =	vst v1  }
0x77: {  	[tilespmem:$0x18B10] =	vst v1  }
0x78: {  	[tilespmem:$0x18B80] =	vst v1  }
0x79: {  	[tilespmem:$0x18B90] =	vst v1  }
0x7a: {  	[tilespmem:$0x18C00] =	vst v1  }
0x7b: {  	[tilespmem:$0x18C10] =	vst v1  }
0x7c: {  	[tilespmem:$0x18C80] =	vst v1  }
0x7d: {  	[tilespmem:$0x18C90] =	vst v1  }
0x7e: {  	[tilespmem:$0x18D00] =	vst v1  }
0x7f: {  	[tilespmem:$0x18D10] =	vst v1  }
0x80: {  	[tilespmem:$0x18D80] =	vst v1  }
0x81: {  	[tilespmem:$0x18D90] =	vst v1  }
0x82: {  	[tilespmem:$0x18E00] =	vst v1  }
0x83: {  	[tilespmem:$0x18E10] =	vst v1  }
0x84: {  	[tilespmem:$0x18E80] =	vst v1  }
0x85: {  	[tilespmem:$0x18E90] =	vst v1  }
0x86: {  	[tilespmem:$0x18F00] =	vst v1  }
0x87: {  	[tilespmem:$0x18F10] =	vst v1  }
0x88: {  	[tilespmem:$0x18F80] =	vst v1  }
0x89: {  	[tilespmem:$0x18F90] =	vst v1  }
0x8a: {  	[tilespmem:$0x19000] =	vst v1  }
0x8b: {  	[tilespmem:$0x19010] =	vst v1  }
0x8c: {  	[tilespmem:$0x19080] =	vst v1  }
0x8d: {  	[tilespmem:$0x19090] =	vst v1  }
0x8e: {  	[tilespmem:$0x19100] =	vst v1  }
0x8f: {  	[tilespmem:$0x19110] =	vst v1  }
0x90: {  	[tilespmem:$0x19180] =	vst v1  }
0x91: {  	[tilespmem:$0x19190] =	vst v1  }
0x92: {  	[tilespmem:$0x19200] =	vst v1  }
0x93: {  	[tilespmem:$0x19210] =	vst v1  }
0x94: {  	[tilespmem:$0x19280] =	vst v1  }
0x95: {  	[tilespmem:$0x19290] =	vst v1  }
0x96: {  	[tilespmem:$0x19300] =	vst v1  }
0x97: {  	[tilespmem:$0x19310] =	vst v1  }
0x98: {  	[tilespmem:$0x19380] =	vst v1  }
0x99: {  	[tilespmem:$0x19390] =	vst v1  }
0x9a: {  	[tilespmem:$0x19400] =	vst v1  }
0x9b: {  	[tilespmem:$0x19410] =	vst v1  }
0x9c: {  	[tilespmem:$0x19480] =	vst v1;
	v21 =	vld [tilespmem:$0x16500]  }
0x9d: {  	[tilespmem:$0x19490] =	vst v1  }
0x9e: {  	[tilespmem:$0x19500] =	vst v1  }
0x9f: {  	[tilespmem:$0x19510] =	vst v1  }
0xa0: {  	[tilespmem:$0x19580] =	vst v1  }
0xa1: {  	[tilespmem:$0x19590] =	vst v1;
	v22 =	vshra.s32 v21, $0x3  }
0xa2: {  	[tilespmem:$0x16580] =	vst v22  }
0xa3: {  	v22 =	vld.idx.msk [tilespmem:v0+s26+$0x0], $0xffff  }
0xa4: {  	v23 =	vld.idx.msk [tilespmem:v2+s28+$0x0], $0xffff;
	_ =	sdelay $0x4  }
0xa5: {  	v22 =	vadd.f32 v23, v22;
	v23 =	vadd.f32 v23, v17;
	_ =	sdelay $0x1  }
0xa6: {  	v24 =	vmul.f32 $2.000000030e-01, v22;
	v25 =	vmul.f32 $2.000000030e-01, v23;
	_ =	sdelay $0x1  }
0xa7: {  	v22 =	vmax.f32 v22, v24;
	v23 =	vmax.f32 v23, v25  }
0xa8: {  	v22 =	vsub.f32 v22, v23;
	_ =	sdelay $0x1  }
0xa9: {  	v22 =	vmul.f32 $1.442695020e+00, v22;
	_ =	sdelay $0x1  }
0xaa: {  	(erf) = vpow2.f32 v22;
	_ =	sdelay $0x3  }
0xab: {  	v21 =	vshll.u32 v21, $0x2  }
0xac: {  	v21 =	vand.u32 $0x1C, v21  }
0xad: {  	v22 =	vor.u32 v0, v21;
	_ =	sdelay $0x2  }
0xae: {  	v23 =	vpop (erf)  }
0xaf: {  	[tilespmem:v0+s29+$0x0] =	vst.idx.msk $0xffff, v23  }
0xb0: {  	[tilespmem:v22+s30+$0x0] =	vst.idx.msk $0xffff, v23  }
0xb1: {  	v22 =	vld.idx.msk [tilespmem:v3+s26+$0x0], $0xffff  }
0xb2: {  	v23 =	vld.idx.msk [tilespmem:v4+s28+$0x0], $0xffff;
	_ =	sdelay $0x4  }
0xb3: {  	v22 =	vadd.f32 v23, v22;
	v23 =	vadd.f32 v23, v18;
	_ =	sdelay $0x1  }
0xb4: {  	v48 =	vmul.f32 $2.000000030e-01, v22;
	v49 =	vmul.f32 $2.000000030e-01, v23;
	_ =	sdelay $0x1  }
0xb5: {  	v22 =	vmax.f32 v22, v48;
	v23 =	vmax.f32 v23, v49  }
0xb6: {  	v22 =	vsub.f32 v22, v23;
	_ =	sdelay $0x1  }
0xb7: {  	v22 =	vmul.f32 $1.442695020e+00, v22;
	_ =	sdelay $0x1  }
0xb8: {  	(erf) = vpow2.f32 v22;
	_ =	sdelay $0x5  }
0xb9: {  	v22 =	vor.u32 v3, v21;
	_ =	sdelay $0x2  }
0xba: {  	v23 =	vpop (erf)  }
0xbb: {  	[tilespmem:v3+s29+$0x0] =	vst.idx.msk $0xffff, v23  }
0xbc: {  	[tilespmem:v22+s30+$0x0] =	vst.idx.msk $0xffff, v23  }
0xbd: {  	v22 =	vld.idx.msk [tilespmem:v5+s26+$0x0], $0xffff  }
0xbe: {  	v23 =	vld.idx.msk [tilespmem:v6+s28+$0x0], $0xffff;
	_ =	sdelay $0x4  }
0xbf: {  	v22 =	vadd.f32 v23, v22;
	v23 =	vadd.f32 v23, v19;
	_ =	sdelay $0x1  }
0xc0: {  	v50 =	vmul.f32 $2.000000030e-01, v22;
	v51 =	vmul.f32 $2.000000030e-01, v23;
	_ =	sdelay $0x1  }
0xc1: {  	v22 =	vmax.f32 v22, v50;
	v23 =	vmax.f32 v23, v51  }
0xc2: {  	v22 =	vsub.f32 v22, v23;
	_ =	sdelay $0x1  }
0xc3: {  	v22 =	vmul.f32 $1.442695020e+00, v22;
	_ =	sdelay $0x1  }
0xc4: {  	(erf) = vpow2.f32 v22;
	_ =	sdelay $0x5  }
0xc5: {  	v22 =	vor.u32 v5, v21;
	_ =	sdelay $0x2  }
0xc6: {  	v23 =	vpop (erf)  }
0xc7: {  	[tilespmem:v5+s29+$0x0] =	vst.idx.msk $0xffff, v23  }
0xc8: {  	[tilespmem:v22+s30+$0x0] =	vst.idx.msk $0xffff, v23  }
0xc9: {  	v22 =	vld.idx.msk [tilespmem:v7+s26+$0x0], $0xffff  }
0xca: {  	v23 =	vld.idx.msk [tilespmem:v8+s28+$0x0], $0xffff;
	_ =	sdelay $0x4  }
0xcb: {  	v22 =	vadd.f32 v23, v22;
	v23 =	vadd.f32 v23, v20;
	_ =	sdelay $0x1  }
0xcc: {  	v52 =	vmul.f32 $2.000000030e-01, v22;
	v53 =	vmul.f32 $2.000000030e-01, v23;
	_ =	sdelay $0x1  }
0xcd: {  	v22 =	vmax.f32 v22, v52;
	v23 =	vmax.f32 v23, v53  }
0xce: {  	v22 =	vsub.f32 v22, v23;
	_ =	sdelay $0x1  }
0xcf: {  	v22 =	vmul.f32 $1.442695020e+00, v22;
	_ =	sdelay $0x1  }
0xd0: {  	(erf) = vpow2.f32 v22;
	_ =	sdelay $0x5  }
0xd1: {  	v21 =	vor.u32 v7, v21;
	_ =	sdelay $0x2  }
0xd2: {  	v22 =	vpop (erf)  }
0xd3: {  	[tilespmem:v7+s29+$0x0] =	vst.idx.msk $0xffff, v22  }
0xd4: {  	[tilespmem:v21+s30+$0x0] =	vst.idx.msk $0xffff, v22  }
0xd5: {  	v21 =	vld [tilespmem:$0x16510];
	_ =	sdelay $0x4  }
0xd6: {  	v22 =	vshra.s32 v21, $0x3  }
0xd7: {  	[tilespmem:$0x16590] =	vst v22  }
0xd8: {  	v22 =	vld.idx.msk [tilespmem:v9+s26+$0x0], $0xffff  }
0xd9: {  	v23 =	vld.idx.msk [tilespmem:v10+s28+$0x0], $0xffff;
	_ =	sdelay $0x4  }
0xda: {  	v22 =	vadd.f32 v23, v22;
	v23 =	vadd.f32 v23, v17;
	_ =	sdelay $0x1  }
0xdb: {  	v54 =	vmul.f32 $2.000000030e-01, v22;
	v55 =	vmul.f32 $2.000000030e-01, v23;
	_ =	sdelay $0x1  }
0xdc: {  	v22 =	vmax.f32 v22, v54;
	v23 =	vmax.f32 v23, v55  }
0xdd: {  	v22 =	vsub.f32 v22, v23;
	_ =	sdelay $0x1  }
0xde: {  	v22 =	vmul.f32 $1.442695020e+00, v22;
	_ =	sdelay $0x1  }
0xdf: {  	(erf) = vpow2.f32 v22;
	_ =	sdelay $0x3  }
0xe0: {  	v21 =	vshll.u32 v21, $0x2  }
0xe1: {  	v21 =	vand.u32 $0x1C, v21  }
0xe2: {  	v22 =	vor.u32 v9, v21;
	_ =	sdelay $0x2  }
0xe3: {  	v23 =	vpop (erf)  }
0xe4: {  	[tilespmem:v9+s29+$0x0] =	vst.idx.msk $0xffff, v23  }
0xe5: {  	[tilespmem:v22+s30+$0x0] =	vst.idx.msk $0xffff, v23  }
0xe6: {  	v22 =	vld.idx.msk [tilespmem:v11+s26+$0x0], $0xffff  }
0xe7: {  	v23 =	vld.idx.msk [tilespmem:v12+s28+$0x0], $0xffff;
	_ =	sdelay $0x4  }
0xe8: {  	v22 =	vadd.f32 v23, v22;
	v23 =	vadd.f32 v23, v18;
	_ =	sdelay $0x1  }
0xe9: {  	v56 =	vmul.f32 $2.000000030e-01, v22;
	v57 =	vmul.f32 $2.000000030e-01, v23;
	_ =	sdelay $0x1  }
0xea: {  	v22 =	vmax.f32 v22, v56;
	v23 =	vmax.f32 v23, v57  }
0xeb: {  	v22 =	vsub.f32 v22, v23;
	_ =	sdelay $0x1  }
0xec: {  	v22 =	vmul.f32 $1.442695020e+00, v22;
	_ =	sdelay $0x1  }
0xed: {  	(erf) = vpow2.f32 v22;
	_ =	sdelay $0x5  }
0xee: {  	v22 =	vor.u32 v11, v21;
	_ =	sdelay $0x2  }
0xef: {  	v23 =	vpop (erf)  }
0xf0: {  	[tilespmem:v11+s29+$0x0] =	vst.idx.msk $0xffff, v23  }
0xf1: {  	[tilespmem:v22+s30+$0x0] =	vst.idx.msk $0xffff, v23  }
0xf2: {  	v22 =	vld.idx.msk [tilespmem:v13+s26+$0x0], $0xffff  }
0xf3: {  	v23 =	vld.idx.msk [tilespmem:v14+s28+$0x0], $0xffff;
	_ =	sdelay $0x4  }
0xf4: {  	v22 =	vadd.f32 v23, v22;
	v23 =	vadd.f32 v23, v19;
	_ =	sdelay $0x1  }
0xf5: {  	v58 =	vmul.f32 $2.000000030e-01, v22;
	v59 =	vmul.f32 $2.000000030e-01, v23;
	_ =	sdelay $0x1  }
0xf6: {  	v22 =	vmax.f32 v22, v58;
	v23 =	vmax.f32 v23, v59  }
0xf7: {  	v22 =	vsub.f32 v22, v23;
	_ =	sdelay $0x1  }
0xf8: {  	v22 =	vmul.f32 $1.442695020e+00, v22;
	_ =	sdelay $0x1  }
0xf9: {  	(erf) = vpow2.f32 v22;
	_ =	sdelay $0x5  }
0xfa: {  	v22 =	vor.u32 v13, v21;
	_ =	sdelay $0x2  }
0xfb: {  	v23 =	vpop (erf)  }
0xfc: {  	[tilespmem:v13+s29+$0x0] =	vst.idx.msk $0xffff, v23  }
0xfd: {  	[tilespmem:v22+s30+$0x0] =	vst.idx.msk $0xffff, v23  }
0xfe: {  	v22 =	vld.idx.msk [tilespmem:v15+s26+$0x0], $0xffff  }
0xff: {  	v23 =	vld.idx.msk [tilespmem:v16+s28+$0x0], $0xffff;
	_ =	sdelay $0x4  }
0x100: {  	v22 =	vadd.f32 v23, v22;
	v23 =	vadd.f32 v23, v20;
	_ =	sdelay $0x1  }
0x101: {  	v60 =	vmul.f32 $2.000000030e-01, v22;
	v61 =	vmul.f32 $2.000000030e-01, v23;
	_ =	sdelay $0x1  }
0x102: {  	v22 =	vmax.f32 v22, v60;
	v23 =	vmax.f32 v23, v61  }
0x103: {  	v22 =	vsub.f32 v22, v23;
	_ =	sdelay $0x1  }
0x104: {  	v22 =	vmul.f32 $1.442695020e+00, v22;
	_ =	sdelay $0x1  }
0x105: {  	(erf) = vpow2.f32 v22;
	_ =	sdelay $0x5  }
0x106: {  	s14 =	simm.s32 $0x0;
	v21 =	vor.u32 v15, v21  }
0x107: {  	v22 =	vmov s14;
	_ =	sdelay $0x1  }
0x108: {  	v23 =	vpop (erf)  }
0x109: {  	[tilespmem:v15+s29+$0x0] =	vst.idx.msk $0xffff, v23  }
0x10a: {  	[tilespmem:v21+s30+$0x0] =	vst.idx.msk $0xffff, v23  }
0x10b: {  	s7 =	simm.s32 $0x16640;
	v23 =	vld.idx.msk [tilespmem:v22+s29+$0x0], $0xffff  }
0x10c: {  	v62 =	vor.u32 $0x2, v22;
	v63 =	vld [tilespmem:s7+$0xFFFFFFC0]  }
0x10d: {  	v21 =	vor.u32 $0x3, v22  }
0x10e: {  	v22 =	vor.u32 $0x1, v22;
	_ =	sdelay $0x2  }
0x10f: {  	v24 =	vld.idx.msk [tilespmem:v62+s29+$0x0], $0xffff;
	v25 =	vmul.f32 v63, v23  }
0x110: {  	s10 =	simm.s32 $0x17640;
	v21 =	vld.idx.msk [tilespmem:v21+s29+$0x0], $0xffff  }
0x111: {  	v22 =	vld.idx.msk [tilespmem:v22+s29+$0x0], $0xffff;
	[tilespmem:s10+$0xFFFFFFC0] =	vst v25  }
0x112: {  	v25 =	vld [tilespmem:s7+$0xFFFFFFD0];
	_ =	sdelay $0x4  }
0x113: {  	v23 =	vmul.f32 v25, v23;
	_ =	sdelay $0x1  }
0x114: {  	[tilespmem:s10+$0xFFFFFFD0] =	vst v23  }
0x115: {  	v23 =	vld [tilespmem:s7+$0xFFFFFFE0];
	_ =	sdelay $0x4  }
0x116: {  	v23 =	vmul.f32 v23, v22;
	_ =	sdelay $0x1  }
0x117: {  	[tilespmem:s10+$0xFFFFFFE0] =	vst v23  }
0x118: {  	v23 =	vld [tilespmem:s7+$0xFFFFFFF0];
	_ =	sdelay $0x4  }
0x119: {  	v22 =	vmul.f32 v23, v22;
	_ =	sdelay $0x1  }
0x11a: {  	[tilespmem:s10+$0xFFFFFFF0] =	vst v22  }
0x11b: {  	v22 =	vld [tilespmem:s7+$0x0];
	_ =	sdelay $0x4  }
0x11c: {  	v22 =	vmul.f32 v22, v24;
	_ =	sdelay $0x1  }
0x11d: {  	[tilespmem:s10+$0x0] =	vst v22  }
0x11e: {  	v22 =	vld [tilespmem:s7+$0x10];
	_ =	sdelay $0x4  }
0x11f: {  	v22 =	vmul.f32 v22, v24;
	_ =	sdelay $0x1  }
0x120: {  	[tilespmem:s10+$0x10] =	vst v22  }
0x121: {  	v22 =	vld [tilespmem:s7+$0x20];
	_ =	sdelay $0x4  }
0x122: {  	v22 =	vmul.f32 v22, v21;
	_ =	sdelay $0x1  }
0x123: {  	[tilespmem:s10+$0x20] =	vst v22  }
0x124: {  	v22 =	vld [tilespmem:s7+$0x30];
	_ =	sdelay $0x1  }
0x125: {  	s12 =	simm.s32 $0x2;
	s14 =	simm.s32 $0x80  }
.LBB2_5:
0x126: {  	p0 =	sne.s32 s12, $0x1F;
	v23 =	vmov s14;
	_ =	sdelay $0x1  }
0x127: {  	v24 =	vor.u32 $0x3, v23;
	v21 =	vmul.f32 v22, v21  }
0x128: {  	v22 =	vor.u32 $0x2, v23  }
0x129: {  	v25 =	vor.u32 $0x1, v23;
	[tilespmem:s10+$0x30] =	vst v21  }
0x12a: {  	s7 =	sadd.s32 $0x80, s7;
	v23 =	vld.idx.msk [tilespmem:v23+s29+$0x0], $0xffff  }
0x12b: {  	v26 =	vld [tilespmem:s7+$0xFFFFFFC0]  }
0x12c: {  	v21 =	vld.idx.msk [tilespmem:v24+s29+$0x0], $0xffff  }
0x12d: {  	v22 =	vld.idx.msk [tilespmem:v22+s29+$0x0], $0xffff  }
0x12e: {  	v24 =	vld.idx.msk [tilespmem:v25+s29+$0x0], $0xffff;
	_ =	sdelay $0x1  }
0x12f: {  	v25 =	vmul.f32 v26, v23  }
0x130: {  	s10 =	sadd.s32 $0x80, s10  }
0x131: {  	[tilespmem:s10+$0xFFFFFFC0] =	vst v25  }
0x132: {  	v25 =	vld [tilespmem:s7+$0xFFFFFFD0];
	_ =	sdelay $0x4  }
0x133: {  	v23 =	vmul.f32 v25, v23;
	_ =	sdelay $0x1  }
0x134: {  	[tilespmem:s10+$0xFFFFFFD0] =	vst v23  }
0x135: {  	v23 =	vld [tilespmem:s7+$0xFFFFFFE0];
	_ =	sdelay $0x4  }
0x136: {  	v23 =	vmul.f32 v23, v24;
	_ =	sdelay $0x1  }
0x137: {  	[tilespmem:s10+$0xFFFFFFE0] =	vst v23  }
0x138: {  	v23 =	vld [tilespmem:s7+$0xFFFFFFF0];
	_ =	sdelay $0x4  }
0x139: {  	v23 =	vmul.f32 v23, v24;
	_ =	sdelay $0x1  }
0x13a: {  	[tilespmem:s10+$0xFFFFFFF0] =	vst v23  }
0x13b: {  	v23 =	vld [tilespmem:s7+$0x0];
	_ =	sdelay $0x4  }
0x13c: {  	v23 =	vmul.f32 v23, v22;
	_ =	sdelay $0x1  }
0x13d: {  	[tilespmem:s10+$0x0] =	vst v23  }
0x13e: {  	v23 =	vld [tilespmem:s7+$0x10];
	_ =	sdelay $0x4  }
0x13f: {  	v22 =	vmul.f32 v23, v22;
	_ =	sdelay $0x1  }
0x140: {  	[tilespmem:s10+$0x10] =	vst v22  }
0x141: {  	v22 =	vld [tilespmem:s7+$0x20];
	_ =	sdelay $0x4  }
0x142: {  	v22 =	vmul.f32 v22, v21  }
.Ltmp1:
0x143: {  	(pc) =	sbr.rel @p0 .LBB2_5-.Ltmp1, $3  }
0x144: {  	[tilespmem:s10+$0x20] =	vst v22  }
0x145: {  	v22 =	vld [tilespmem:s7+$0x30];
	_ =	sdelay $0x1  }
0x146: {  	s14 =	sshll.u32 s12, $0x7;
	s12 =	sadd.s32 $0x1, s12  }
0x147: {  	v23 =	vmov s14;
	_ =	sdelay $0x1  }
0x148: {  	v21 =	vmul.f32 v22, v21;
	_ =	sdelay $0x1  }
0x149: {  	[tilespmem:s10+$0x30] =	vst v21  }
0x14a: {  	s7 =	sadd.s32 $0x80, s7;
	v22 =	vld.idx.msk [tilespmem:v23+s29+$0x0], $0xffff  }
0x14b: {  	v24 =	vor.u32 $0x2, v23;
	v25 =	vld [tilespmem:s7+$0xFFFFFFC0]  }
0x14c: {  	v21 =	vor.u32 $0x3, v23  }
0x14d: {  	v23 =	vor.u32 $0x1, v23;
	_ =	sdelay $0x2  }
0x14e: {  	v24 =	vld.idx.msk [tilespmem:v24+s29+$0x0], $0xffff;
	v25 =	vmul.f32 v25, v22  }
0x14f: {  	s14 =	sadd.s32 $0x80, s10;
	v21 =	vld.idx.msk [tilespmem:v21+s29+$0x0], $0xffff  }
0x150: {  	v23 =	vld.idx.msk [tilespmem:v23+s29+$0x0], $0xffff;
	[tilespmem:s14+$0xFFFFFFC0] =	vst v25  }
0x151: {  	v25 =	vld [tilespmem:s7+$0xFFFFFFD0];
	_ =	sdelay $0x4  }
0x152: {  	v22 =	vmul.f32 v25, v22;
	_ =	sdelay $0x1  }
0x153: {  	[tilespmem:s14+$0xFFFFFFD0] =	vst v22  }
0x154: {  	v22 =	vld [tilespmem:s7+$0xFFFFFFE0];
	_ =	sdelay $0x4  }
0x155: {  	v22 =	vmul.f32 v22, v23;
	_ =	sdelay $0x1  }
0x156: {  	[tilespmem:s14+$0xFFFFFFE0] =	vst v22  }
0x157: {  	v22 =	vld [tilespmem:s7+$0xFFFFFFF0];
	_ =	sdelay $0x4  }
0x158: {  	v22 =	vmul.f32 v22, v23;
	_ =	sdelay $0x1  }
0x159: {  	[tilespmem:s14+$0xFFFFFFF0] =	vst v22  }
0x15a: {  	v22 =	vld [tilespmem:s7+$0x0];
	_ =	sdelay $0x4  }
0x15b: {  	v22 =	vmul.f32 v22, v24;
	_ =	sdelay $0x1  }
0x15c: {  	[tilespmem:s14+$0x0] =	vst v22  }
0x15d: {  	v22 =	vld [tilespmem:s7+$0x10];
	_ =	sdelay $0x4  }
0x15e: {  	v22 =	vmul.f32 v22, v24;
	_ =	sdelay $0x1  }
0x15f: {  	[tilespmem:s14+$0x10] =	vst v22  }
0x160: {  	v22 =	vld [tilespmem:s7+$0x20];
	_ =	sdelay $0x4  }
0x161: {  	v22 =	vmul.f32 v22, v21;
	_ =	sdelay $0x1  }
0x162: {  	[tilespmem:s14+$0x20] =	vst v22  }
0x163: {  	v22 =	vld [tilespmem:s7+$0x30];
	_ =	sdelay $0x4  }
0x164: {  	v21 =	vmul.f32 v22, v21;
	_ =	sdelay $0x1  }
0x165: {  	[tilespmem:s14+$0x30] =	vst v21  }
0x166: {  	[spmem:s2] =	stream.indirect.scatter.add.f32 [tilespmem:s31], [sflag:$0x2], $0x80, s22, s23, $0xb8;
	[tilespmem:$0x1C600] =	vst v63  }
0x167: {  	s20 =	sadd.s32 $0x1, s20;
	_ =	swait.ge [sflag:s18], $0x1000  }
0x168: {  	p0 =	sne.s32 s20, $0x144;
	[sflag:s18] =	ssyncset.done $0x0  }
.Ltmp2:
0x169: {  	[sflag:s18] =	ssyncadd.s32 $0xFFFFF000;
	(pc) =	sbr.rel @p0 .LBB2_4-.Ltmp2, $4  }
0x16a: {  	[spmem:s3] =	stream.indirect.scatter.add.f32 [tilespmem:s30], [sflag:$0x2], $0x80, s0, s23, $0xb8;
	[tilespmem:$0x1C600] =	vst v63  }
0x16b: {  	_ =	swait.ge [sflag:s18], $0x1000  }
0x16c: {  	[sflag:s18] =	ssyncset.done $0x0  }
0x16d: {  	[sflag:s18] =	ssyncadd.s32 $0xFFFFF000  }
0x16e: {  	[bflag:$0x0] =	sbarrier.arrive $0xFFFF  }
0x16f: {  	s4 =	rddreg [dreg:$0x8]  }
0x170: {  	[hbm:s4], [sflag:s11] =	dma.local [spmem:s17], $0x2780  }
0x171: {  	s1 =	sadd.s32 $0x1, s1;
	_ =	swait.ge [sflag:s18], $0x2780  }
0x172: {  	p0 =	sne.s32 s1, s16;
	[sflag:s18] =	ssyncset.done $0x0  }
.Ltmp3:
0x173: {  	[sflag:s18] =	ssyncadd.s32 $0xFFFFD880;
	(pc) =	sbr.rel @p0 .LBB2_1-.Ltmp3, $4  }
0x174: {  	[hbm:s15], [sflag:s11] =	dma.local [spmem:s19], $0x500  }
0x175: {  	_ =	swait.ge [sflag:s18], $0x500  }
0x176: {  	[sflag:s18] =	ssyncset.done $0x0  }
0x177: {  	[sflag:s18] =	ssyncadd.s32 $0xFFFFFB00  }
0x178: {  	_ =	sfence.sel $0x180000  }
0x179: {  	[bflag:$0x0] =	sbarrier.arrive $0xFFFF  }
0x17a: {  	_ =	strace $0x90000047  }
0x17b: {  	s0 =	stileid.u32;
	[bflag:$0x2] =	sbarrier.arrive $0xFFFF  }
0x17c: {  	p0 =	sne.s32 s0, $0x0;
	s0 =	rddreg [dreg:$0x4]  }
0x17d: {  	s0 =	sadd.s32 @!p0 $0x100000, s0  }
0x17e: {  	[sflag:s0] =	ssyncadd.tile.s32 @!p0 $0x1;
	_ =	shalt  }
.Lfunc_end2:
_tile_overlayer_lowered:
.L_overlay_start_2:
0x17f: {  	(tag) =	ssettag $0x2  }
0x180: {  	s0 =	rddreg [dreg:$0x0];
	s2 =	stileid.u32  }
0x181: {  	s1 =	rddreg [dreg:$0x1];
	p0 =	sne.s32 s2, $0x0  }
0x182: {  	s3 =	rddreg [dreg:$0x2];
	[bflag:$0x3] =	sbarrier.arrive $0xFFFF;
	s2 =	simm.s32 @!p0 $0x1C02  }
0x183: {  	[timem:s3], [sflag:s2] =	dma.local @!p0 [hbm:s0], s1  }
0x184: {  	s0 =	simm.s32 @!p0 $0x2  }
0x185: {  	_ =	swait.ge @!p0 [sflag:s0], s1  }
0x186: {  	s1 =	ssub.s32 @!p0 $0x0, s1;
	[sflag:s0] =	ssyncset.done @!p0 $0x0  }
0x187: {  	[sflag:s0] =	ssyncadd.s32 @!p0 s1  }
0x188: {  	[bflag:$0x3] =	sbarrier.arrive $0xFFFF  }
0x189: {  	_ =	shalt  }

</sc_bundles>
